<compile_context>
chip_gen: v7x
topology: tpu7x:2x2x1
jax: 0.10.2.dev20260603
libtpu: 0.0.44.dev20260713+nightly
codegen_flags: <defaults>
</compile_context>

<pallas_src>
import functools

import jax
import jax.numpy as jnp
from jax import lax
from jax.experimental import pallas as pl
from jax.experimental.pallas import tpu as pltpu
from jax.experimental.pallas import tpu_sc as plsc

N_SIDES = 100000
N_SAMPLES = 16384
NC = 2
NS = 16
L = 16
NW = NC * NS
QPW = N_SAMPLES // NW
_ILV = 8

_CHUNK = 6240
_REM_OFF = _CHUNK * NS
_REM = N_SIDES - _REM_OFF

ROW = 64
NROWS = -(-N_SIDES // ROW)
_NCP = 1568
_NBLK = 4
_BQ = QPW // _NBLK

_mesh = plsc.VectorSubcoreMesh(core_axis_name="c", subcore_axis_name="s")
_params = pltpu.CompilerParams(needs_layout_passes=False,
                               use_tc_tiling_on_sc=False,
                               disable_bounds_checks=True,
                               disable_semaphore_checks=True)


@functools.partial(
    pl.kernel,
    out_type=(
        jax.ShapeDtypeStruct((N_SAMPLES,), jnp.int32),
        jax.ShapeDtypeStruct((N_SIDES,), jnp.int32),
        jax.ShapeDtypeStruct((N_SIDES,), jnp.int32),
    ),
    mesh=_mesh,
    scratch_types=[
        pltpu.VMEM((_NCP,), jnp.float32),
        pltpu.VMEM((QPW, ROW), jnp.float32),
        pltpu.VMEM((QPW,), jnp.float32),
        pltpu.VMEM((QPW,), jnp.int32),
        pltpu.VMEM((_NBLK, _BQ), jnp.int32),
        pltpu.VMEM((_NBLK, _BQ), jnp.int32),
        pltpu.VMEM((_CHUNK,), jnp.int32),
        pltpu.VMEM((_REM,), jnp.int32),
        pltpu.VMEM((_BQ,), jnp.int32),
        pltpu.VMEM_SHARED((N_SIDES,), jnp.int32),
        pltpu.SemaphoreType.DMA,
        pltpu.SemaphoreType.DMA,
        pltpu.SemaphoreType.DMA,
        pltpu.SemaphoreType.DMA,
        pltpu.SemaphoreType.DMA,
    ],
    compiler_params=_params,
)
def _sample(t2_hbm, coarse_hbm, r_hbm, hist_hbm, res_hbm, h0_hbm, h1_hbm,
            coarse_v, rows_v, q_v, res_v, brow_v, srow_v, tmp_v, rem_v,
            ones_v, hshared, sem_t, sem_q, sem_h, sem_g, sem_s):
    cid = lax.axis_index("c")
    sid = lax.axis_index("s")
    wid = sid * NC + cid
    base = wid * QPW
    off = sid * _CHUNK

    cp_t = pltpu.async_copy(coarse_hbm, coarse_v, sem_t)
    cp_q = pltpu.async_copy(r_hbm.at[pl.ds(base, QPW)], q_v, sem_q)
    for k in range(_BQ // L):
        ones_v[pl.ds(k * L, L)] = jnp.full((L,), 1, jnp.int32)

    @pl.when(cid == 0)
    def _():
        cp_h = pltpu.async_copy(hist_hbm.at[pl.ds(off, _CHUNK)], tmp_v, sem_h)

        @pl.when(sid == 0)
        def _():
            pltpu.sync_copy(hist_hbm.at[pl.ds(_REM_OFF, _REM)], rem_v)

        cp_h.wait()

    @pl.when(cid == 1)
    def _():
        def zbody(k, c):
            for u in range(4):
                tmp_v[pl.ds((k * 4 + u) * L, L)] = jnp.zeros((L,), jnp.int32)
            return c

        lax.fori_loop(0, _CHUNK // L // 4, zbody, 0)
        for u in range(_CHUNK // L - (_CHUNK // L // 4) * 4):
            tmp_v[pl.ds((_CHUNK - (u + 1) * L), L)] = jnp.zeros(
                (L,), jnp.int32)

        @pl.when(sid == 0)
        def _():
            for k in range(_REM // L):
                rem_v[pl.ds(k * L, L)] = jnp.zeros((L,), jnp.int32)

    pltpu.sync_copy(tmp_v, hshared.at[pl.ds(off, _CHUNK)])

    @pl.when(sid == 0)
    def _():
        pltpu.sync_copy(rem_v, hshared.at[pl.ds(_REM_OFF, _REM)])

    cp_q.wait()
    cp_t.wait()

    def coarse_chunk(blk):
        def body(rel, carry):
            i = blk * (_BQ // L) + rel
            q = q_v[pl.ds(i * L, L)]
            pos = jnp.zeros((L,), jnp.int32)
            for p in (1 << b for b in range(10, -1, -1)):
                cand = pos + (p - 1)
                val = plsc.load_gather(coarse_v,
                                       [jnp.minimum(cand, NROWS - 1)])
                ok = (cand < NROWS) & (val < q)
                pos = jnp.where(ok, pos + p, pos)
            brow_v[blk, pl.ds(rel * L, L)] = pos
            return carry

        return body

    def fine_chunk(blk):
        def body(rel, carry):
            i = blk * (_BQ // L) + rel
            q = q_v[pl.ds(i * L, L)]
            b = brow_v[blk, pl.ds(rel * L, L)]
            rid = lax.iota(jnp.int32, L) + i * L
            pos = jnp.zeros((L,), jnp.int32)
            for p in (32, 16, 8, 4, 2, 1):
                cand = pos + (p - 1)
                val = plsc.load_gather(rows_v, [rid, cand])
                pos = jnp.where(val < q, pos + p, pos)
            ans = b * ROW + pos
            res_v[pl.ds(i * L, L)] = ans
            srow_v[blk, pl.ds(rel * L, L)] = ans
            return carry

        return body

    gcps = []
    for blk in range(_NBLK):
        lax.fori_loop(0, _BQ // L, coarse_chunk(blk), 0)
        gcps.append(pltpu.async_copy(t2_hbm.at[brow_v.at[blk]],
                                     rows_v.at[pl.ds(blk * _BQ, _BQ)],
                                     sem_g))
    plsc.subcore_barrier()
    for blk in range(_NBLK):
        gcps[blk].wait()
        lax.fori_loop(0, _BQ // L, fine_chunk(blk), 0)
        pltpu.async_copy(ones_v, hshared.at[srow_v.at[blk]], sem_s, add=True)

    pltpu.sync_copy(res_v, res_hbm.at[pl.ds(base, QPW)])
    pltpu.make_async_copy(hist_hbm.at[pl.ds(0, QPW)], res_v, sem_s).wait()
    plsc.subcore_barrier()

    pltpu.sync_copy(hshared.at[pl.ds(off, _CHUNK)], tmp_v)

    @pl.when(cid == 0)
    def _():
        pltpu.sync_copy(tmp_v, h0_hbm.at[pl.ds(off, _CHUNK)])

        @pl.when(sid == 0)
        def _():
            pltpu.sync_copy(hshared.at[pl.ds(_REM_OFF, _REM)], rem_v)
            pltpu.sync_copy(rem_v, h0_hbm.at[pl.ds(_REM_OFF, _REM)])

    @pl.when(cid == 1)
    def _():
        pltpu.sync_copy(tmp_v, h1_hbm.at[pl.ds(off, _CHUNK)])

        @pl.when(sid == 0)
        def _():
            pltpu.sync_copy(hshared.at[pl.ds(_REM_OFF, _REM)], rem_v)
            pltpu.sync_copy(rem_v, h1_hbm.at[pl.ds(_REM_OFF, _REM)])


def kernel(weights, hist, n_samples):
    assert weights.shape[-1] == N_SIDES
    w = jax.nn.softmax(jnp.log(weights))
    p_cuml = jnp.cumsum(w)
    keys = jax.random.split(jax.random.key(42), N_SAMPLES)
    u = jax.vmap(lambda k: jax.random.uniform(k, (), p_cuml.dtype))(keys)
    r = p_cuml[-1] * (1 - u)

    inf = jnp.full((NROWS * ROW - N_SIDES,), jnp.inf, jnp.float32)
    t2 = jnp.concatenate([p_cuml, inf]).reshape(NROWS, ROW)
    coarse = jnp.concatenate(
        [t2[:, ROW - 1], jnp.full((_NCP - NROWS,), jnp.inf, jnp.float32)])

    result, h0, h1 = _sample(t2, coarse, r, hist)
    residual = jnp.asarray(n_samples - N_SAMPLES).astype(hist.dtype)
    return result, h0 + h1 + residual

# --- scband reference (transcript-rebuilt; emitter-appended) ---
"""Pipeline reference for scband-dice-1717986918686 (READ-ONLY COPY).

The authoritative reference and input builder live on the scoring server;
editing this copy changes nothing except your own understanding.
"""

import jax, jax.numpy as jnp
import numpy as np

N_SIDES = 100000
N_SAMPLES = 16384

def setup_inputs(seed: int = 0) -> dict:
    key = jax.random.key(seed)
    kw = jax.random.fold_in(key, 1)
    # raw (unnormalized) weights passed to Dice.__init__; module stores softmax(log(weights))
    weights = jax.random.uniform(kw, (N_SIDES,), dtype=jnp.float32, minval=0.5, maxval=1.5)
    hist = jnp.zeros((N_SIDES,), dtype=jnp.int32)
    return {"weights": weights, "hist": hist, "n_samples": N_SAMPLES}

def reference(weights, hist, n_samples):
    n_sides = weights.shape[-1]
    # Dice.__init__: self.weights = jax.nn.softmax(jnp.log(weights))
    w = jax.nn.softmax(jnp.log(weights))
    # Dice.__call__: key is split into the sample shape, then _call is vectorized over keys
    keys = jax.random.split(jax.random.key(42), N_SAMPLES)
    sides = jnp.arange(n_sides, dtype=jnp.int32)
    def _call(k):
        # Dice._call: jax.random.choice(key, arange(n_sides), (), p=self.weights)
        return jax.random.choice(k, sides, (), p=w)
    result = jax.vmap(_call)(keys)
    # histogram state update: equivalent to the per-side loop
    #   hist = hist.at[i].add((result == i).sum()) for i in range(n_sides)
    n_samples_residual = jnp.asarray(n_samples - N_SAMPLES).astype(hist.dtype)
    hist = hist + jnp.bincount(result, length=n_sides).astype(hist.dtype) + n_samples_residual
    return result, hist

if __name__ == "__main__":
    import jax
    _d = setup_inputs()
    print(jax.jit(kernel)(*tuple(_d.values())))

</pallas_src>

<mosaic_0001>
#map = affine_map<(d0, d1) -> (0, 0)>
#map1 = affine_map<(d0, d1) -> (0)>
module attributes {stable_mosaic.version = 14 : i64} {
  func.func @_sample(%arg0: i32, %arg1: i32, %arg2: memref<1563x64xf32, #tpu.memory_space<hbm>>, %arg3: memref<1568xf32, #tpu.memory_space<hbm>>, %arg4: memref<16384xf32, #tpu.memory_space<hbm>>, %arg5: memref<100000xi32, #tpu.memory_space<hbm>>, %arg6: memref<16384xi32, #tpu.memory_space<hbm>>, %arg7: memref<100000xi32, #tpu.memory_space<hbm>>, %arg8: memref<100000xi32, #tpu.memory_space<hbm>>, %arg9: memref<1568xf32, #tpu.memory_space<vmem>>, %arg10: memref<512x64xf32, #tpu.memory_space<vmem>>, %arg11: memref<512xf32, #tpu.memory_space<vmem>>, %arg12: memref<512xi32, #tpu.memory_space<vmem>>, %arg13: memref<4x128xi32, #tpu.memory_space<vmem>>, %arg14: memref<4x128xi32, #tpu.memory_space<vmem>>, %arg15: memref<6240xi32, #tpu.memory_space<vmem>>, %arg16: memref<160xi32, #tpu.memory_space<vmem>>, %arg17: memref<128xi32, #tpu.memory_space<vmem>>, %arg18: memref<100000xi32, #tpu.memory_space<vmem_shared>>, %arg19: memref<!tpu.dma_semaphore, #tpu.memory_space<semaphore_mem>>, %arg20: memref<!tpu.dma_semaphore, #tpu.memory_space<semaphore_mem>>, %arg21: memref<!tpu.dma_semaphore, #tpu.memory_space<semaphore_mem>>, %arg22: memref<!tpu.dma_semaphore, #tpu.memory_space<semaphore_mem>>, %arg23: memref<!tpu.dma_semaphore, #tpu.memory_space<semaphore_mem>>) attributes {dimension_semantics = [#tpu.dimension_semantics<core_parallel>, #tpu.dimension_semantics<subcore_parallel>], iteration_bounds = array<i64: 2, 16>, scalar_prefetch = 0 : i64, scratch_operands = 15 : i64, tpu.core_type = #tpu.core_type<sc_vector_subcore>, window_params = [{transform_indices = #map}, {transform_indices = #map1}, {transform_indices = #map1}, {transform_indices = #map1}, {transform_indices = #map1}, {transform_indices = #map1}, {transform_indices = #map1}]} {
    %mul3A = arith.constant 2 : i32
    %mul3A_0 = arith.muli %arg1, %mul3A : i32
    %add3A = arith.addi %mul3A_0, %arg0 : i32
    %mul3A_1 = arith.constant 512 : i32
    %mul3A_2 = arith.muli %add3A, %mul3A_1 : i32
    %mul3A_3 = arith.constant 6240 : i32
    %mul3A_4 = arith.muli %arg1, %mul3A_3 : i32
    tpu.enqueue_dma source(%arg3 : memref<1568xf32, #tpu.memory_space<hbm>>) target(%arg9 : memref<1568xf32, #tpu.memory_space<vmem>>) target_semaphore(%arg19 : memref<!tpu.dma_semaphore, #tpu.memory_space<semaphore_mem>>)
    %dma_start3A = tpu.memref_slice %arg4[%mul3A_2] : memref<16384xf32, #tpu.memory_space<hbm>> -> memref<512xf32, #tpu.memory_space<hbm>>
    %dma_start3A_5 = tpu.memref_slice %arg4[%mul3A_2] : memref<16384xf32, #tpu.memory_space<hbm>> -> memref<512xf32, #tpu.memory_space<hbm>>
    tpu.enqueue_dma source(%dma_start3A_5 : memref<512xf32, #tpu.memory_space<hbm>>) target(%arg11 : memref<512xf32, #tpu.memory_space<vmem>>) target_semaphore(%arg20 : memref<!tpu.dma_semaphore, #tpu.memory_space<semaphore_mem>>)
    %broadcast_in_dim3A = arith.constant 1 : i32
    %broadcast_in_dim3A_6 = vector.broadcast %broadcast_in_dim3A : i32 to vector<16xi32>
    %swap3A = arith.constant 0 : index
    %swap3A_7 = tpu.vector_load %arg17[%swap3A] {strides = array<i32>} : memref<128xi32, #tpu.memory_space<vmem>>, vector<16xi32>,
    tpu.vector_store %arg17[%swap3A], %broadcast_in_dim3A_6 {strides = array<i32>} : memref<128xi32, #tpu.memory_space<vmem>>, vector<16xi32>,
    %broadcast_in_dim3A_8 = arith.constant 1 : i32
    %broadcast_in_dim3A_9 = vector.broadcast %broadcast_in_dim3A_8 : i32 to vector<16xi32>
    %swap3A_10 = arith.constant 16 : index
    %swap3A_11 = tpu.vector_load %arg17[%swap3A_10] {strides = array<i32>} : memref<128xi32, #tpu.memory_space<vmem>>, vector<16xi32>,
    tpu.vector_store %arg17[%swap3A_10], %broadcast_in_dim3A_9 {strides = array<i32>} : memref<128xi32, #tpu.memory_space<vmem>>, vector<16xi32>,
    %broadcast_in_dim3A_12 = arith.constant 1 : i32
    %broadcast_in_dim3A_13 = vector.broadcast %broadcast_in_dim3A_12 : i32 to vector<16xi32>
    %swap3A_14 = arith.constant 32 : index
    %swap3A_15 = tpu.vector_load %arg17[%swap3A_14] {strides = array<i32>} : memref<128xi32, #tpu.memory_space<vmem>>, vector<16xi32>,
    tpu.vector_store %arg17[%swap3A_14], %broadcast_in_dim3A_13 {strides = array<i32>} : memref<128xi32, #tpu.memory_space<vmem>>, vector<16xi32>,
    %broadcast_in_dim3A_16 = arith.constant 1 : i32
    %broadcast_in_dim3A_17 = vector.broadcast %broadcast_in_dim3A_16 : i32 to vector<16xi32>
    %swap3A_18 = arith.constant 48 : index
    %swap3A_19 = tpu.vector_load %arg17[%swap3A_18] {strides = array<i32>} : memref<128xi32, #tpu.memory_space<vmem>>, vector<16xi32>,
    tpu.vector_store %arg17[%swap3A_18], %broadcast_in_dim3A_17 {strides = array<i32>} : memref<128xi32, #tpu.memory_space<vmem>>, vector<16xi32>,
    %broadcast_in_dim3A_20 = arith.constant 1 : i32
    %broadcast_in_dim3A_21 = vector.broadcast %broadcast_in_dim3A_20 : i32 to vector<16xi32>
    %swap3A_22 = arith.constant 64 : index
    %swap3A_23 = tpu.vector_load %arg17[%swap3A_22] {strides = array<i32>} : memref<128xi32, #tpu.memory_space<vmem>>, vector<16xi32>,
    tpu.vector_store %arg17[%swap3A_22], %broadcast_in_dim3A_21 {strides = array<i32>} : memref<128xi32, #tpu.memory_space<vmem>>, vector<16xi32>,
    %broadcast_in_dim3A_24 = arith.constant 1 : i32
    %broadcast_in_dim3A_25 = vector.broadcast %broadcast_in_dim3A_24 : i32 to vector<16xi32>
    %swap3A_26 = arith.constant 80 : index
    %swap3A_27 = tpu.vector_load %arg17[%swap3A_26] {strides = array<i32>} : memref<128xi32, #tpu.memory_space<vmem>>, vector<16xi32>,
    tpu.vector_store %arg17[%swap3A_26], %broadcast_in_dim3A_25 {strides = array<i32>} : memref<128xi32, #tpu.memory_space<vmem>>, vector<16xi32>,
    %broadcast_in_dim3A_28 = arith.constant 1 : i32
    %broadcast_in_dim3A_29 = vector.broadcast %broadcast_in_dim3A_28 : i32 to vector<16xi32>
    %swap3A_30 = arith.constant 96 : index
    %swap3A_31 = tpu.vector_load %arg17[%swap3A_30] {strides = array<i32>} : memref<128xi32, #tpu.memory_space<vmem>>, vector<16xi32>,
    tpu.vector_store %arg17[%swap3A_30], %broadcast_in_dim3A_29 {strides = array<i32>} : memref<128xi32, #tpu.memory_space<vmem>>, vector<16xi32>,
    %broadcast_in_dim3A_32 = arith.constant 1 : i32
    %broadcast_in_dim3A_33 = vector.broadcast %broadcast_in_dim3A_32 : i32 to vector<16xi32>
    %swap3A_34 = arith.constant 112 : index
    %swap3A_35 = tpu.vector_load %arg17[%swap3A_34] {strides = array<i32>} : memref<128xi32, #tpu.memory_space<vmem>>, vector<16xi32>,
    tpu.vector_store %arg17[%swap3A_34], %broadcast_in_dim3A_33 {strides = array<i32>} : memref<128xi32, #tpu.memory_space<vmem>>, vector<16xi32>,
    %eq3A = arith.constant 0 : i32
    %eq3A_36 = arith.cmpi eq, %arg0, %eq3A : i32
    %convert_element_type3A = arith.extui %eq3A_36 : i1 to i32
    %cond3A = arith.constant 0 : i32
    %cond3A_37 = arith.cmpi ne, %convert_element_type3A, %cond3A : i32
    scf.if %cond3A_37 {
      %dma_start3A_215 = tpu.memref_slice %arg5[%mul3A_4] : memref<100000xi32, #tpu.memory_space<hbm>> -> memref<6240xi32, #tpu.memory_space<hbm>>
      %dma_start3A_216 = tpu.memref_slice %arg5[%mul3A_4] : memref<100000xi32, #tpu.memory_space<hbm>> -> memref<6240xi32, #tpu.memory_space<hbm>>
      tpu.enqueue_dma source(%dma_start3A_216 : memref<6240xi32, #tpu.memory_space<hbm>>) target(%arg15 : memref<6240xi32, #tpu.memory_space<vmem>>) target_semaphore(%arg21 : memref<!tpu.dma_semaphore, #tpu.memory_space<semaphore_mem>>)
      %eq3A_217 = arith.constant 0 : i32
      %eq3A_218 = arith.cmpi eq, %arg1, %eq3A_217 : i32
      %convert_element_type3A_219 = arith.extui %eq3A_218 : i1 to i32
      %cond3A_220 = arith.constant 0 : i32
      %cond3A_221 = arith.cmpi ne, %convert_element_type3A_219, %cond3A_220 : i32
      scf.if %cond3A_221 {
        "tpu.region"() ({
          %run_scoped3A = tpu.sem_alloc : memref<!tpu.dma_semaphore, #tpu.memory_space<semaphore_mem>>
          %dma_start3A_224 = arith.constant 99840 : i32
          %dma_start3A_225 = tpu.memref_slice %arg5[%dma_start3A_224] : memref<100000xi32, #tpu.memory_space<hbm>> -> memref<160xi32, #tpu.memory_space<hbm>>
          %dma_start3A_226 = arith.constant 99840 : i32
          %dma_start3A_227 = tpu.memref_slice %arg5[%dma_start3A_226] : memref<100000xi32, #tpu.memory_space<hbm>> -> memref<160xi32, #tpu.memory_space<hbm>>
          tpu.enqueue_dma source(%dma_start3A_227 : memref<160xi32, #tpu.memory_space<hbm>>) target(%arg16 : memref<160xi32, #tpu.memory_space<vmem>>) target_semaphore(%run_scoped3A : memref<!tpu.dma_semaphore, #tpu.memory_space<semaphore_mem>>)
          %dma_wait3A_228 = arith.constant 99840 : i32
          %dma_wait3A_229 = tpu.memref_slice %arg5[%dma_wait3A_228] : memref<100000xi32, #tpu.memory_space<hbm>> -> memref<160xi32, #tpu.memory_space<hbm>>
          %dma_wait3A_230 = arith.constant 99840 : i32
          %dma_wait3A_231 = tpu.memref_slice %arg5[%dma_wait3A_230] : memref<100000xi32, #tpu.memory_space<hbm>> -> memref<160xi32, #tpu.memory_space<hbm>>
          tpu.wait_dma2 semaphore(%run_scoped3A : memref<!tpu.dma_semaphore, #tpu.memory_space<semaphore_mem>>) src(%dma_wait3A_231 : memref<160xi32, #tpu.memory_space<hbm>>) dst(%arg16 : memref<160xi32, #tpu.memory_space<vmem>>)
          tpu.yield
        }) : () -> ()
      } else {
      }
      %dma_wait3A_222 = tpu.memref_slice %arg5[%mul3A_4] : memref<100000xi32, #tpu.memory_space<hbm>> -> memref<6240xi32, #tpu.memory_space<hbm>>
      %dma_wait3A_223 = tpu.memref_slice %arg5[%mul3A_4] : memref<100000xi32, #tpu.memory_space<hbm>> -> memref<6240xi32, #tpu.memory_space<hbm>>
      tpu.wait_dma2 semaphore(%arg21 : memref<!tpu.dma_semaphore, #tpu.memory_space<semaphore_mem>>) src(%dma_wait3A_223 : memref<6240xi32, #tpu.memory_space<hbm>>) dst(%arg15 : memref<6240xi32, #tpu.memory_space<vmem>>)
    } else {
    }
    %eq3A_38 = arith.constant 1 : i32
    %eq3A_39 = arith.cmpi eq, %arg0, %eq3A_38 : i32
    %convert_element_type3A_40 = arith.extui %eq3A_39 : i1 to i32
    %cond3A_41 = arith.constant 0 : i32
    %cond3A_42 = arith.cmpi ne, %convert_element_type3A_40, %cond3A_41 : i32
    scf.if %cond3A_42 {
      %scan3A_215 = arith.constant 0 : i32
      %scan3A_216 = arith.constant 0 : i32
      %scan3A_217 = arith.constant 97 : i32
      %scan3A_218 = arith.addi %scan3A_216, %scan3A_217 : i32
      %scan3A_219 = arith.constant 1 : i32
      scf.for %scan3A_234 = %scan3A_216 to %scan3A_218 step %scan3A_219  : i32 {
        %broadcast_in_dim3A_235 = arith.constant 0 : i32
        %broadcast_in_dim3A_236 = vector.broadcast %broadcast_in_dim3A_235 : i32 to vector<16xi32>
        %mul3A_237 = arith.constant 4 : i32
        %mul3A_238 = arith.muli %scan3A_234, %mul3A_237 : i32
        %add3A_239 = arith.constant 0 : i32
        %add3A_240 = arith.addi %mul3A_238, %add3A_239 : i32
        %mul3A_241 = arith.constant 16 : i32
        %mul3A_242 = arith.muli %add3A_240, %mul3A_241 : i32
        %swap3A_243 = arith.index_cast %mul3A_242 : i32 to index
        %swap3A_244 = tpu.vector_load %arg15[%swap3A_243] {strides = array<i32>} : memref<6240xi32, #tpu.memory_space<vmem>>, vector<16xi32>,
        tpu.vector_store %arg15[%swap3A_243], %broadcast_in_dim3A_236 {strides = array<i32>} : memref<6240xi32, #tpu.memory_space<vmem>>, vector<16xi32>,
        %broadcast_in_dim3A_245 = arith.constant 0 : i32
        %broadcast_in_dim3A_246 = vector.broadcast %broadcast_in_dim3A_245 : i32 to vector<16xi32>
        %mul3A_247 = arith.constant 4 : i32
        %mul3A_248 = arith.muli %scan3A_234, %mul3A_247 : i32
        %add3A_249 = arith.constant 1 : i32
        %add3A_250 = arith.addi %mul3A_248, %add3A_249 : i32
        %mul3A_251 = arith.constant 16 : i32
        %mul3A_252 = arith.muli %add3A_250, %mul3A_251 : i32
        %swap3A_253 = arith.index_cast %mul3A_252 : i32 to index
        %swap3A_254 = tpu.vector_load %arg15[%swap3A_253] {strides = array<i32>} : memref<6240xi32, #tpu.memory_space<vmem>>, vector<16xi32>,
        tpu.vector_store %arg15[%swap3A_253], %broadcast_in_dim3A_246 {strides = array<i32>} : memref<6240xi32, #tpu.memory_space<vmem>>, vector<16xi32>,
        %broadcast_in_dim3A_255 = arith.constant 0 : i32
        %broadcast_in_dim3A_256 = vector.broadcast %broadcast_in_dim3A_255 : i32 to vector<16xi32>
        %mul3A_257 = arith.constant 4 : i32
        %mul3A_258 = arith.muli %scan3A_234, %mul3A_257 : i32
        %add3A_259 = arith.constant 2 : i32
        %add3A_260 = arith.addi %mul3A_258, %add3A_259 : i32
        %mul3A_261 = arith.constant 16 : i32
        %mul3A_262 = arith.muli %add3A_260, %mul3A_261 : i32
        %swap3A_263 = arith.index_cast %mul3A_262 : i32 to index
        %swap3A_264 = tpu.vector_load %arg15[%swap3A_263] {strides = array<i32>} : memref<6240xi32, #tpu.memory_space<vmem>>, vector<16xi32>,
        tpu.vector_store %arg15[%swap3A_263], %broadcast_in_dim3A_256 {strides = array<i32>} : memref<6240xi32, #tpu.memory_space<vmem>>, vector<16xi32>,
        %broadcast_in_dim3A_265 = arith.constant 0 : i32
        %broadcast_in_dim3A_266 = vector.broadcast %broadcast_in_dim3A_265 : i32 to vector<16xi32>
        %mul3A_267 = arith.constant 4 : i32
        %mul3A_268 = arith.muli %scan3A_234, %mul3A_267 : i32
        %add3A_269 = arith.constant 3 : i32
        %add3A_270 = arith.addi %mul3A_268, %add3A_269 : i32
        %mul3A_271 = arith.constant 16 : i32
        %mul3A_272 = arith.muli %add3A_270, %mul3A_271 : i32
        %swap3A_273 = arith.index_cast %mul3A_272 : i32 to index
        %swap3A_274 = tpu.vector_load %arg15[%swap3A_273] {strides = array<i32>} : memref<6240xi32, #tpu.memory_space<vmem>>, vector<16xi32>,
        tpu.vector_store %arg15[%swap3A_273], %broadcast_in_dim3A_266 {strides = array<i32>} : memref<6240xi32, #tpu.memory_space<vmem>>, vector<16xi32>,
      }
      %scan3A_220 = arith.constant 97 : i32
      %broadcast_in_dim3A_221 = arith.constant 0 : i32
      %broadcast_in_dim3A_222 = vector.broadcast %broadcast_in_dim3A_221 : i32 to vector<16xi32>
      %swap3A_223 = arith.constant 6224 : index
      %swap3A_224 = tpu.vector_load %arg15[%swap3A_223] {strides = array<i32>} : memref<6240xi32, #tpu.memory_space<vmem>>, vector<16xi32>,
      tpu.vector_store %arg15[%swap3A_223], %broadcast_in_dim3A_222 {strides = array<i32>} : memref<6240xi32, #tpu.memory_space<vmem>>, vector<16xi32>,
      %broadcast_in_dim3A_225 = arith.constant 0 : i32
      %broadcast_in_dim3A_226 = vector.broadcast %broadcast_in_dim3A_225 : i32 to vector<16xi32>
      %swap3A_227 = arith.constant 6208 : index
      %swap3A_228 = tpu.vector_load %arg15[%swap3A_227] {strides = array<i32>} : memref<6240xi32, #tpu.memory_space<vmem>>, vector<16xi32>,
      tpu.vector_store %arg15[%swap3A_227], %broadcast_in_dim3A_226 {strides = array<i32>} : memref<6240xi32, #tpu.memory_space<vmem>>, vector<16xi32>,
      %eq3A_229 = arith.constant 0 : i32
      %eq3A_230 = arith.cmpi eq, %arg1, %eq3A_229 : i32
      %convert_element_type3A_231 = arith.extui %eq3A_230 : i1 to i32
      %cond3A_232 = arith.constant 0 : i32
      %cond3A_233 = arith.cmpi ne, %convert_element_type3A_231, %cond3A_232 : i32
      scf.if %cond3A_233 {
        %broadcast_in_dim3A_234 = arith.constant 0 : i32
        %broadcast_in_dim3A_235 = vector.broadcast %broadcast_in_dim3A_234 : i32 to vector<16xi32>
        %swap3A_236 = arith.constant 0 : index
        %swap3A_237 = tpu.vector_load %arg16[%swap3A_236] {strides = array<i32>} : memref<160xi32, #tpu.memory_space<vmem>>, vector<16xi32>,
        tpu.vector_store %arg16[%swap3A_236], %broadcast_in_dim3A_235 {strides = array<i32>} : memref<160xi32, #tpu.memory_space<vmem>>, vector<16xi32>,
        %broadcast_in_dim3A_238 = arith.constant 0 : i32
        %broadcast_in_dim3A_239 = vector.broadcast %broadcast_in_dim3A_238 : i32 to vector<16xi32>
        %swap3A_240 = arith.constant 16 : index
        %swap3A_241 = tpu.vector_load %arg16[%swap3A_240] {strides = array<i32>} : memref<160xi32, #tpu.memory_space<vmem>>, vector<16xi32>,
        tpu.vector_store %arg16[%swap3A_240], %broadcast_in_dim3A_239 {strides = array<i32>} : memref<160xi32, #tpu.memory_space<vmem>>, vector<16xi32>,
        %broadcast_in_dim3A_242 = arith.constant 0 : i32
        %broadcast_in_dim3A_243 = vector.broadcast %broadcast_in_dim3A_242 : i32 to vector<16xi32>
        %swap3A_244 = arith.constant 32 : index
        %swap3A_245 = tpu.vector_load %arg16[%swap3A_244] {strides = array<i32>} : memref<160xi32, #tpu.memory_space<vmem>>, vector<16xi32>,
        tpu.vector_store %arg16[%swap3A_244], %broadcast_in_dim3A_243 {strides = array<i32>} : memref<160xi32, #tpu.memory_space<vmem>>, vector<16xi32>,
        %broadcast_in_dim3A_246 = arith.constant 0 : i32
        %broadcast_in_dim3A_247 = vector.broadcast %broadcast_in_dim3A_246 : i32 to vector<16xi32>
        %swap3A_248 = arith.constant 48 : index
        %swap3A_249 = tpu.vector_load %arg16[%swap3A_248] {strides = array<i32>} : memref<160xi32, #tpu.memory_space<vmem>>, vector<16xi32>,
        tpu.vector_store %arg16[%swap3A_248], %broadcast_in_dim3A_247 {strides = array<i32>} : memref<160xi32, #tpu.memory_space<vmem>>, vector<16xi32>,
        %broadcast_in_dim3A_250 = arith.constant 0 : i32
        %broadcast_in_dim3A_251 = vector.broadcast %broadcast_in_dim3A_250 : i32 to vector<16xi32>
        %swap3A_252 = arith.constant 64 : index
        %swap3A_253 = tpu.vector_load %arg16[%swap3A_252] {strides = array<i32>} : memref<160xi32, #tpu.memory_space<vmem>>, vector<16xi32>,
        tpu.vector_store %arg16[%swap3A_252], %broadcast_in_dim3A_251 {strides = array<i32>} : memref<160xi32, #tpu.memory_space<vmem>>, vector<16xi32>,
        %broadcast_in_dim3A_254 = arith.constant 0 : i32
        %broadcast_in_dim3A_255 = vector.broadcast %broadcast_in_dim3A_254 : i32 to vector<16xi32>
        %swap3A_256 = arith.constant 80 : index
        %swap3A_257 = tpu.vector_load %arg16[%swap3A_256] {strides = array<i32>} : memref<160xi32, #tpu.memory_space<vmem>>, vector<16xi32>,
        tpu.vector_store %arg16[%swap3A_256], %broadcast_in_dim3A_255 {strides = array<i32>} : memref<160xi32, #tpu.memory_space<vmem>>, vector<16xi32>,
        %broadcast_in_dim3A_258 = arith.constant 0 : i32
        %broadcast_in_dim3A_259 = vector.broadcast %broadcast_in_dim3A_258 : i32 to vector<16xi32>
        %swap3A_260 = arith.constant 96 : index
        %swap3A_261 = tpu.vector_load %arg16[%swap3A_260] {strides = array<i32>} : memref<160xi32, #tpu.memory_space<vmem>>, vector<16xi32>,
        tpu.vector_store %arg16[%swap3A_260], %broadcast_in_dim3A_259 {strides = array<i32>} : memref<160xi32, #tpu.memory_space<vmem>>, vector<16xi32>,
        %broadcast_in_dim3A_262 = arith.constant 0 : i32
        %broadcast_in_dim3A_263 = vector.broadcast %broadcast_in_dim3A_262 : i32 to vector<16xi32>
        %swap3A_264 = arith.constant 112 : index
        %swap3A_265 = tpu.vector_load %arg16[%swap3A_264] {strides = array<i32>} : memref<160xi32, #tpu.memory_space<vmem>>, vector<16xi32>,
        tpu.vector_store %arg16[%swap3A_264], %broadcast_in_dim3A_263 {strides = array<i32>} : memref<160xi32, #tpu.memory_space<vmem>>, vector<16xi32>,
        %broadcast_in_dim3A_266 = arith.constant 0 : i32
        %broadcast_in_dim3A_267 = vector.broadcast %broadcast_in_dim3A_266 : i32 to vector<16xi32>
        %swap3A_268 = arith.constant 128 : index
        %swap3A_269 = tpu.vector_load %arg16[%swap3A_268] {strides = array<i32>} : memref<160xi32, #tpu.memory_space<vmem>>, vector<16xi32>,
        tpu.vector_store %arg16[%swap3A_268], %broadcast_in_dim3A_267 {strides = array<i32>} : memref<160xi32, #tpu.memory_space<vmem>>, vector<16xi32>,
        %broadcast_in_dim3A_270 = arith.constant 0 : i32
        %broadcast_in_dim3A_271 = vector.broadcast %broadcast_in_dim3A_270 : i32 to vector<16xi32>
        %swap3A_272 = arith.constant 144 : index
        %swap3A_273 = tpu.vector_load %arg16[%swap3A_272] {strides = array<i32>} : memref<160xi32, #tpu.memory_space<vmem>>, vector<16xi32>,
        tpu.vector_store %arg16[%swap3A_272], %broadcast_in_dim3A_271 {strides = array<i32>} : memref<160xi32, #tpu.memory_space<vmem>>, vector<16xi32>,
      } else {
      }
    } else {
    }
    "tpu.region"() ({
      %run_scoped3A = tpu.sem_alloc : memref<!tpu.dma_semaphore, #tpu.memory_space<semaphore_mem>>
      %dma_start3A_215 = tpu.memref_slice %arg18[%mul3A_4] : memref<100000xi32, #tpu.memory_space<vmem_shared>> -> memref<6240xi32, #tpu.memory_space<vmem_shared>>
      %dma_start3A_216 = tpu.memref_slice %arg18[%mul3A_4] : memref<100000xi32, #tpu.memory_space<vmem_shared>> -> memref<6240xi32, #tpu.memory_space<vmem_shared>>
      tpu.enqueue_dma source(%arg15 : memref<6240xi32, #tpu.memory_space<vmem>>) target(%dma_start3A_216 : memref<6240xi32, #tpu.memory_space<vmem_shared>>) target_semaphore(%run_scoped3A : memref<!tpu.dma_semaphore, #tpu.memory_space<semaphore_mem>>)
      %dma_wait3A_217 = tpu.memref_slice %arg18[%mul3A_4] : memref<100000xi32, #tpu.memory_space<vmem_shared>> -> memref<6240xi32, #tpu.memory_space<vmem_shared>>
      %dma_wait3A_218 = tpu.memref_slice %arg18[%mul3A_4] : memref<100000xi32, #tpu.memory_space<vmem_shared>> -> memref<6240xi32, #tpu.memory_space<vmem_shared>>
      tpu.wait_dma2 semaphore(%run_scoped3A : memref<!tpu.dma_semaphore, #tpu.memory_space<semaphore_mem>>) src(%arg15 : memref<6240xi32, #tpu.memory_space<vmem>>) dst(%dma_wait3A_218 : memref<6240xi32, #tpu.memory_space<vmem_shared>>)
      tpu.yield
    }) : () -> ()
    %eq3A_43 = arith.constant 0 : i32
    %eq3A_44 = arith.cmpi eq, %arg1, %eq3A_43 : i32
    %convert_element_type3A_45 = arith.extui %eq3A_44 : i1 to i32
    %cond3A_46 = arith.constant 0 : i32
    %cond3A_47 = arith.cmpi ne, %convert_element_type3A_45, %cond3A_46 : i32
    scf.if %cond3A_47 {
      "tpu.region"() ({
        %run_scoped3A = tpu.sem_alloc : memref<!tpu.dma_semaphore, #tpu.memory_space<semaphore_mem>>
        %dma_start3A_215 = arith.constant 99840 : i32
        %dma_start3A_216 = tpu.memref_slice %arg18[%dma_start3A_215] : memref<100000xi32, #tpu.memory_space<vmem_shared>> -> memref<160xi32, #tpu.memory_space<vmem_shared>>
        %dma_start3A_217 = arith.constant 99840 : i32
        %dma_start3A_218 = tpu.memref_slice %arg18[%dma_start3A_217] : memref<100000xi32, #tpu.memory_space<vmem_shared>> -> memref<160xi32, #tpu.memory_space<vmem_shared>>
        tpu.enqueue_dma source(%arg16 : memref<160xi32, #tpu.memory_space<vmem>>) target(%dma_start3A_218 : memref<160xi32, #tpu.memory_space<vmem_shared>>) target_semaphore(%run_scoped3A : memref<!tpu.dma_semaphore, #tpu.memory_space<semaphore_mem>>)
        %dma_wait3A_219 = arith.constant 99840 : i32
        %dma_wait3A_220 = tpu.memref_slice %arg18[%dma_wait3A_219] : memref<100000xi32, #tpu.memory_space<vmem_shared>> -> memref<160xi32, #tpu.memory_space<vmem_shared>>
        %dma_wait3A_221 = arith.constant 99840 : i32
        %dma_wait3A_222 = tpu.memref_slice %arg18[%dma_wait3A_221] : memref<100000xi32, #tpu.memory_space<vmem_shared>> -> memref<160xi32, #tpu.memory_space<vmem_shared>>
        tpu.wait_dma2 semaphore(%run_scoped3A : memref<!tpu.dma_semaphore, #tpu.memory_space<semaphore_mem>>) src(%arg16 : memref<160xi32, #tpu.memory_space<vmem>>) dst(%dma_wait3A_222 : memref<160xi32, #tpu.memory_space<vmem_shared>>)
        tpu.yield
      }) : () -> ()
    } else {
    }
    %dma_wait3A = tpu.memref_slice %arg4[%mul3A_2] : memref<16384xf32, #tpu.memory_space<hbm>> -> memref<512xf32, #tpu.memory_space<hbm>>
    %dma_wait3A_48 = tpu.memref_slice %arg4[%mul3A_2] : memref<16384xf32, #tpu.memory_space<hbm>> -> memref<512xf32, #tpu.memory_space<hbm>>
    tpu.wait_dma2 semaphore(%arg20 : memref<!tpu.dma_semaphore, #tpu.memory_space<semaphore_mem>>) src(%dma_wait3A_48 : memref<512xf32, #tpu.memory_space<hbm>>) dst(%arg11 : memref<512xf32, #tpu.memory_space<vmem>>)
    tpu.wait_dma2 semaphore(%arg19 : memref<!tpu.dma_semaphore, #tpu.memory_space<semaphore_mem>>) src(%arg3 : memref<1568xf32, #tpu.memory_space<hbm>>) dst(%arg9 : memref<1568xf32, #tpu.memory_space<vmem>>)
    %scan3A = arith.constant 0 : i32
    %scan3A_49 = arith.constant 0 : i32
    %scan3A_50 = arith.constant 8 : i32
    %scan3A_51 = arith.addi %scan3A_49, %scan3A_50 : i32
    %scan3A_52 = arith.constant 1 : i32
    scf.for %scan3A_215 = %scan3A_49 to %scan3A_51 step %scan3A_52  : i32 {
      %add3A_216 = arith.constant 0 : i32
      %add3A_217 = arith.addi %add3A_216, %scan3A_215 : i32
      %mul3A_218 = arith.constant 16 : i32
      %mul3A_219 = arith.muli %add3A_217, %mul3A_218 : i32
      %get3A = arith.index_cast %mul3A_219 : i32 to index
      %get3A_220 = tpu.vector_load %arg11[%get3A] {strides = array<i32>} : memref<512xf32, #tpu.memory_space<vmem>>, vector<16xf32>,
      %broadcast_in_dim3A_221 = arith.constant 0 : i32
      %broadcast_in_dim3A_222 = vector.broadcast %broadcast_in_dim3A_221 : i32 to vector<16xi32>
      %add3A_223 = arith.constant 1023 : i32
      %add3A_224 = vector.broadcast %add3A_223 : i32 to vector<16xi32>
      %add3A_225 = arith.addi %broadcast_in_dim3A_222, %add3A_224 : vector<16xi32>
      %min3A = arith.constant 1562 : i32
      %min3A_226 = vector.broadcast %min3A : i32 to vector<16xi32>
      %min3A_227 = arith.minsi %add3A_225, %min3A_226 : vector<16xi32>
      %gather3A = tpu.vector_load_idx %arg9[%min3A_227] : memref<1568xf32, #tpu.memory_space<vmem>>[vector<16xi32>], vector<16xf32>,
      %lt3A = arith.constant 1563 : i32
      %lt3A_228 = vector.broadcast %lt3A : i32 to vector<16xi32>
      %lt3A_229 = arith.cmpi slt, %add3A_225, %lt3A_228 : vector<16xi32>
      %lt3A_230 = arith.cmpf olt, %gather3A, %get3A_220 : vector<16xf32>
      %and3A = arith.andi %lt3A_229, %lt3A_230 : vector<16xi1>
      %add3A_231 = arith.constant 1024 : i32
      %add3A_232 = vector.broadcast %add3A_231 : i32 to vector<16xi32>
      %add3A_233 = arith.addi %broadcast_in_dim3A_222, %add3A_232 : vector<16xi32>
      %select_n3A = arith.select %and3A, %add3A_233, %broadcast_in_dim3A_222 : vector<16xi1>, vector<16xi32>
      %add3A_234 = arith.constant 511 : i32
      %add3A_235 = vector.broadcast %add3A_234 : i32 to vector<16xi32>
      %add3A_236 = arith.addi %select_n3A, %add3A_235 : vector<16xi32>
      %min3A_237 = arith.constant 1562 : i32
      %min3A_238 = vector.broadcast %min3A_237 : i32 to vector<16xi32>
      %min3A_239 = arith.minsi %add3A_236, %min3A_238 : vector<16xi32>
      %gather3A_240 = tpu.vector_load_idx %arg9[%min3A_239] : memref<1568xf32, #tpu.memory_space<vmem>>[vector<16xi32>], vector<16xf32>,
      %lt3A_241 = arith.constant 1563 : i32
      %lt3A_242 = vector.broadcast %lt3A_241 : i32 to vector<16xi32>
      %lt3A_243 = arith.cmpi slt, %add3A_236, %lt3A_242 : vector<16xi32>
      %lt3A_244 = arith.cmpf olt, %gather3A_240, %get3A_220 : vector<16xf32>
      %and3A_245 = arith.andi %lt3A_243, %lt3A_244 : vector<16xi1>
      %add3A_246 = arith.constant 512 : i32
      %add3A_247 = vector.broadcast %add3A_246 : i32 to vector<16xi32>
      %add3A_248 = arith.addi %select_n3A, %add3A_247 : vector<16xi32>
      %select_n3A_249 = arith.select %and3A_245, %add3A_248, %select_n3A : vector<16xi1>, vector<16xi32>
      %add3A_250 = arith.constant 255 : i32
      %add3A_251 = vector.broadcast %add3A_250 : i32 to vector<16xi32>
      %add3A_252 = arith.addi %select_n3A_249, %add3A_251 : vector<16xi32>
      %min3A_253 = arith.constant 1562 : i32
      %min3A_254 = vector.broadcast %min3A_253 : i32 to vector<16xi32>
      %min3A_255 = arith.minsi %add3A_252, %min3A_254 : vector<16xi32>
      %gather3A_256 = tpu.vector_load_idx %arg9[%min3A_255] : memref<1568xf32, #tpu.memory_space<vmem>>[vector<16xi32>], vector<16xf32>,
      %lt3A_257 = arith.constant 1563 : i32
      %lt3A_258 = vector.broadcast %lt3A_257 : i32 to vector<16xi32>
      %lt3A_259 = arith.cmpi slt, %add3A_252, %lt3A_258 : vector<16xi32>
      %lt3A_260 = arith.cmpf olt, %gather3A_256, %get3A_220 : vector<16xf32>
      %and3A_261 = arith.andi %lt3A_259, %lt3A_260 : vector<16xi1>
      %add3A_262 = arith.constant 256 : i32
      %add3A_263 = vector.broadcast %add3A_262 : i32 to vector<16xi32>
      %add3A_264 = arith.addi %select_n3A_249, %add3A_263 : vector<16xi32>
      %select_n3A_265 = arith.select %and3A_261, %add3A_264, %select_n3A_249 : vector<16xi1>, vector<16xi32>
      %add3A_266 = arith.constant 127 : i32
      %add3A_267 = vector.broadcast %add3A_266 : i32 to vector<16xi32>
      %add3A_268 = arith.addi %select_n3A_265, %add3A_267 : vector<16xi32>
      %min3A_269 = arith.constant 1562 : i32
      %min3A_270 = vector.broadcast %min3A_269 : i32 to vector<16xi32>
      %min3A_271 = arith.minsi %add3A_268, %min3A_270 : vector<16xi32>
      %gather3A_272 = tpu.vector_load_idx %arg9[%min3A_271] : memref<1568xf32, #tpu.memory_space<vmem>>[vector<16xi32>], vector<16xf32>,
      %lt3A_273 = arith.constant 1563 : i32
      %lt3A_274 = vector.broadcast %lt3A_273 : i32 to vector<16xi32>
      %lt3A_275 = arith.cmpi slt, %add3A_268, %lt3A_274 : vector<16xi32>
      %lt3A_276 = arith.cmpf olt, %gather3A_272, %get3A_220 : vector<16xf32>
      %and3A_277 = arith.andi %lt3A_275, %lt3A_276 : vector<16xi1>
      %add3A_278 = arith.constant 128 : i32
      %add3A_279 = vector.broadcast %add3A_278 : i32 to vector<16xi32>
      %add3A_280 = arith.addi %select_n3A_265, %add3A_279 : vector<16xi32>
      %select_n3A_281 = arith.select %and3A_277, %add3A_280, %select_n3A_265 : vector<16xi1>, vector<16xi32>
      %add3A_282 = arith.constant 63 : i32
      %add3A_283 = vector.broadcast %add3A_282 : i32 to vector<16xi32>
      %add3A_284 = arith.addi %select_n3A_281, %add3A_283 : vector<16xi32>
      %min3A_285 = arith.constant 1562 : i32
      %min3A_286 = vector.broadcast %min3A_285 : i32 to vector<16xi32>
      %min3A_287 = arith.minsi %add3A_284, %min3A_286 : vector<16xi32>
      %gather3A_288 = tpu.vector_load_idx %arg9[%min3A_287] : memref<1568xf32, #tpu.memory_space<vmem>>[vector<16xi32>], vector<16xf32>,
      %lt3A_289 = arith.constant 1563 : i32
      %lt3A_290 = vector.broadcast %lt3A_289 : i32 to vector<16xi32>
      %lt3A_291 = arith.cmpi slt, %add3A_284, %lt3A_290 : vector<16xi32>
      %lt3A_292 = arith.cmpf olt, %gather3A_288, %get3A_220 : vector<16xf32>
      %and3A_293 = arith.andi %lt3A_291, %lt3A_292 : vector<16xi1>
      %add3A_294 = arith.constant 64 : i32
      %add3A_295 = vector.broadcast %add3A_294 : i32 to vector<16xi32>
      %add3A_296 = arith.addi %select_n3A_281, %add3A_295 : vector<16xi32>
      %select_n3A_297 = arith.select %and3A_293, %add3A_296, %select_n3A_281 : vector<16xi1>, vector<16xi32>
      %add3A_298 = arith.constant 31 : i32
      %add3A_299 = vector.broadcast %add3A_298 : i32 to vector<16xi32>
      %add3A_300 = arith.addi %select_n3A_297, %add3A_299 : vector<16xi32>
      %min3A_301 = arith.constant 1562 : i32
      %min3A_302 = vector.broadcast %min3A_301 : i32 to vector<16xi32>
      %min3A_303 = arith.minsi %add3A_300, %min3A_302 : vector<16xi32>
      %gather3A_304 = tpu.vector_load_idx %arg9[%min3A_303] : memref<1568xf32, #tpu.memory_space<vmem>>[vector<16xi32>], vector<16xf32>,
      %lt3A_305 = arith.constant 1563 : i32
      %lt3A_306 = vector.broadcast %lt3A_305 : i32 to vector<16xi32>
      %lt3A_307 = arith.cmpi slt, %add3A_300, %lt3A_306 : vector<16xi32>
      %lt3A_308 = arith.cmpf olt, %gather3A_304, %get3A_220 : vector<16xf32>
      %and3A_309 = arith.andi %lt3A_307, %lt3A_308 : vector<16xi1>
      %add3A_310 = arith.constant 32 : i32
      %add3A_311 = vector.broadcast %add3A_310 : i32 to vector<16xi32>
      %add3A_312 = arith.addi %select_n3A_297, %add3A_311 : vector<16xi32>
      %select_n3A_313 = arith.select %and3A_309, %add3A_312, %select_n3A_297 : vector<16xi1>, vector<16xi32>
      %add3A_314 = arith.constant 15 : i32
      %add3A_315 = vector.broadcast %add3A_314 : i32 to vector<16xi32>
      %add3A_316 = arith.addi %select_n3A_313, %add3A_315 : vector<16xi32>
      %min3A_317 = arith.constant 1562 : i32
      %min3A_318 = vector.broadcast %min3A_317 : i32 to vector<16xi32>
      %min3A_319 = arith.minsi %add3A_316, %min3A_318 : vector<16xi32>
      %gather3A_320 = tpu.vector_load_idx %arg9[%min3A_319] : memref<1568xf32, #tpu.memory_space<vmem>>[vector<16xi32>], vector<16xf32>,
      %lt3A_321 = arith.constant 1563 : i32
      %lt3A_322 = vector.broadcast %lt3A_321 : i32 to vector<16xi32>
      %lt3A_323 = arith.cmpi slt, %add3A_316, %lt3A_322 : vector<16xi32>
      %lt3A_324 = arith.cmpf olt, %gather3A_320, %get3A_220 : vector<16xf32>
      %and3A_325 = arith.andi %lt3A_323, %lt3A_324 : vector<16xi1>
      %add3A_326 = arith.constant 16 : i32
      %add3A_327 = vector.broadcast %add3A_326 : i32 to vector<16xi32>
      %add3A_328 = arith.addi %select_n3A_313, %add3A_327 : vector<16xi32>
      %select_n3A_329 = arith.select %and3A_325, %add3A_328, %select_n3A_313 : vector<16xi1>, vector<16xi32>
      %add3A_330 = arith.constant 7 : i32
      %add3A_331 = vector.broadcast %add3A_330 : i32 to vector<16xi32>
      %add3A_332 = arith.addi %select_n3A_329, %add3A_331 : vector<16xi32>
      %min3A_333 = arith.constant 1562 : i32
      %min3A_334 = vector.broadcast %min3A_333 : i32 to vector<16xi32>
      %min3A_335 = arith.minsi %add3A_332, %min3A_334 : vector<16xi32>
      %gather3A_336 = tpu.vector_load_idx %arg9[%min3A_335] : memref<1568xf32, #tpu.memory_space<vmem>>[vector<16xi32>], vector<16xf32>,
      %lt3A_337 = arith.constant 1563 : i32
      %lt3A_338 = vector.broadcast %lt3A_337 : i32 to vector<16xi32>
      %lt3A_339 = arith.cmpi slt, %add3A_332, %lt3A_338 : vector<16xi32>
      %lt3A_340 = arith.cmpf olt, %gather3A_336, %get3A_220 : vector<16xf32>
      %and3A_341 = arith.andi %lt3A_339, %lt3A_340 : vector<16xi1>
      %add3A_342 = arith.constant 8 : i32
      %add3A_343 = vector.broadcast %add3A_342 : i32 to vector<16xi32>
      %add3A_344 = arith.addi %select_n3A_329, %add3A_343 : vector<16xi32>
      %select_n3A_345 = arith.select %and3A_341, %add3A_344, %select_n3A_329 : vector<16xi1>, vector<16xi32>
      %add3A_346 = arith.constant 3 : i32
      %add3A_347 = vector.broadcast %add3A_346 : i32 to vector<16xi32>
      %add3A_348 = arith.addi %select_n3A_345, %add3A_347 : vector<16xi32>
      %min3A_349 = arith.constant 1562 : i32
      %min3A_350 = vector.broadcast %min3A_349 : i32 to vector<16xi32>
      %min3A_351 = arith.minsi %add3A_348, %min3A_350 : vector<16xi32>
      %gather3A_352 = tpu.vector_load_idx %arg9[%min3A_351] : memref<1568xf32, #tpu.memory_space<vmem>>[vector<16xi32>], vector<16xf32>,
      %lt3A_353 = arith.constant 1563 : i32
      %lt3A_354 = vector.broadcast %lt3A_353 : i32 to vector<16xi32>
      %lt3A_355 = arith.cmpi slt, %add3A_348, %lt3A_354 : vector<16xi32>
      %lt3A_356 = arith.cmpf olt, %gather3A_352, %get3A_220 : vector<16xf32>
      %and3A_357 = arith.andi %lt3A_355, %lt3A_356 : vector<16xi1>
      %add3A_358 = arith.constant 4 : i32
      %add3A_359 = vector.broadcast %add3A_358 : i32 to vector<16xi32>
      %add3A_360 = arith.addi %select_n3A_345, %add3A_359 : vector<16xi32>
      %select_n3A_361 = arith.select %and3A_357, %add3A_360, %select_n3A_345 : vector<16xi1>, vector<16xi32>
      %add3A_362 = arith.constant 1 : i32
      %add3A_363 = vector.broadcast %add3A_362 : i32 to vector<16xi32>
      %add3A_364 = arith.addi %select_n3A_361, %add3A_363 : vector<16xi32>
      %min3A_365 = arith.constant 1562 : i32
      %min3A_366 = vector.broadcast %min3A_365 : i32 to vector<16xi32>
      %min3A_367 = arith.minsi %add3A_364, %min3A_366 : vector<16xi32>
      %gather3A_368 = tpu.vector_load_idx %arg9[%min3A_367] : memref<1568xf32, #tpu.memory_space<vmem>>[vector<16xi32>], vector<16xf32>,
      %lt3A_369 = arith.constant 1563 : i32
      %lt3A_370 = vector.broadcast %lt3A_369 : i32 to vector<16xi32>
      %lt3A_371 = arith.cmpi slt, %add3A_364, %lt3A_370 : vector<16xi32>
      %lt3A_372 = arith.cmpf olt, %gather3A_368, %get3A_220 : vector<16xf32>
      %and3A_373 = arith.andi %lt3A_371, %lt3A_372 : vector<16xi1>
      %add3A_374 = arith.constant 2 : i32
      %add3A_375 = vector.broadcast %add3A_374 : i32 to vector<16xi32>
      %add3A_376 = arith.addi %select_n3A_361, %add3A_375 : vector<16xi32>
      %select_n3A_377 = arith.select %and3A_373, %add3A_376, %select_n3A_361 : vector<16xi1>, vector<16xi32>
      %add3A_378 = arith.constant 0 : i32
      %add3A_379 = vector.broadcast %add3A_378 : i32 to vector<16xi32>
      %add3A_380 = arith.addi %select_n3A_377, %add3A_379 : vector<16xi32>
      %min3A_381 = arith.constant 1562 : i32
      %min3A_382 = vector.broadcast %min3A_381 : i32 to vector<16xi32>
      %min3A_383 = arith.minsi %add3A_380, %min3A_382 : vector<16xi32>
      %gather3A_384 = tpu.vector_load_idx %arg9[%min3A_383] : memref<1568xf32, #tpu.memory_space<vmem>>[vector<16xi32>], vector<16xf32>,
      %lt3A_385 = arith.constant 1563 : i32
      %lt3A_386 = vector.broadcast %lt3A_385 : i32 to vector<16xi32>
      %lt3A_387 = arith.cmpi slt, %add3A_380, %lt3A_386 : vector<16xi32>
      %lt3A_388 = arith.cmpf olt, %gather3A_384, %get3A_220 : vector<16xf32>
      %and3A_389 = arith.andi %lt3A_387, %lt3A_388 : vector<16xi1>
      %add3A_390 = arith.constant 1 : i32
      %add3A_391 = vector.broadcast %add3A_390 : i32 to vector<16xi32>
      %add3A_392 = arith.addi %select_n3A_377, %add3A_391 : vector<16xi32>
      %select_n3A_393 = arith.select %and3A_389, %add3A_392, %select_n3A_377 : vector<16xi1>, vector<16xi32>
      %mul3A_394 = arith.constant 16 : i32
      %mul3A_395 = arith.muli %scan3A_215, %mul3A_394 : i32
      %swap3A_396 = arith.constant 0 : i32
      %swap3A_397 = arith.index_cast %swap3A_396 : i32 to index
      %swap3A_398 = arith.index_cast %mul3A_395 : i32 to index
      %swap3A_399 = tpu.vector_load %arg13[%swap3A_397, %swap3A_398] {strides = array<i32>} : memref<4x128xi32, #tpu.memory_space<vmem>>, vector<16xi32>,
      tpu.vector_store %arg13[%swap3A_397, %swap3A_398], %select_n3A_393 {strides = array<i32>} : memref<4x128xi32, #tpu.memory_space<vmem>>, vector<16xi32>,
    }
    %scan3A_53 = arith.constant 8 : i32
    %dma_start3A_54 = arith.constant 0 : i32
    %dma_start3A_55 = arith.constant 0 : i32
    %dma_start3A_56 = arith.constant 0 : i32
    %dma_start3A_57 = tpu.memref_slice %arg10[%dma_start3A_55, %dma_start3A_56] : memref<512x64xf32, #tpu.memory_space<vmem>> -> memref<128x64xf32, #tpu.memory_space<vmem>>
    %dma_start3A_58 = arith.constant 0 : i32
    %dma_start3A_59 = tpu.memref_slice %arg13[%dma_start3A_54, %dma_start3A_58] : memref<4x128xi32, #tpu.memory_space<vmem>> -> memref<1x128xi32, #tpu.memory_space<vmem>>
    %dma_start3A_60 = tpu.memref_squeeze %dma_start3A_59 : memref<1x128xi32, #tpu.memory_space<vmem>> -> memref<128xi32, #tpu.memory_space<vmem>>
    %dma_start3A_61 = arith.constant 0 : i32
    %dma_start3A_62 = arith.constant 0 : i32
    %dma_start3A_63 = tpu.memref_slice %arg2[%dma_start3A_61, %dma_start3A_62] : memref<1563x64xf32, #tpu.memory_space<hbm>> -> memref<1563x64xf32, #tpu.memory_space<hbm>>
    tpu.enqueue_indirect_dma source(%dma_start3A_63 : memref<1563x64xf32, #tpu.memory_space<hbm>>) target(%dma_start3A_57 : memref<128x64xf32, #tpu.memory_space<vmem>>) offsets(%dma_start3A_60 : memref<128xi32, #tpu.memory_space<vmem>>) semaphore(%arg22 : memref<!tpu.dma_semaphore, #tpu.memory_space<semaphore_mem>>)
    %scan3A_64 = arith.constant 0 : i32
    %scan3A_65 = arith.constant 0 : i32
    %scan3A_66 = arith.constant 8 : i32
    %scan3A_67 = arith.addi %scan3A_65, %scan3A_66 : i32
    %scan3A_68 = arith.constant 1 : i32
    scf.for %scan3A_215 = %scan3A_65 to %scan3A_67 step %scan3A_68  : i32 {
      %add3A_216 = arith.constant 8 : i32
      %add3A_217 = arith.addi %add3A_216, %scan3A_215 : i32
      %mul3A_218 = arith.constant 16 : i32
      %mul3A_219 = arith.muli %add3A_217, %mul3A_218 : i32
      %get3A = arith.index_cast %mul3A_219 : i32 to index
      %get3A_220 = tpu.vector_load %arg11[%get3A] {strides = array<i32>} : memref<512xf32, #tpu.memory_space<vmem>>, vector<16xf32>,
      %broadcast_in_dim3A_221 = arith.constant 0 : i32
      %broadcast_in_dim3A_222 = vector.broadcast %broadcast_in_dim3A_221 : i32 to vector<16xi32>
      %add3A_223 = arith.constant 1023 : i32
      %add3A_224 = vector.broadcast %add3A_223 : i32 to vector<16xi32>
      %add3A_225 = arith.addi %broadcast_in_dim3A_222, %add3A_224 : vector<16xi32>
      %min3A = arith.constant 1562 : i32
      %min3A_226 = vector.broadcast %min3A : i32 to vector<16xi32>
      %min3A_227 = arith.minsi %add3A_225, %min3A_226 : vector<16xi32>
      %gather3A = tpu.vector_load_idx %arg9[%min3A_227] : memref<1568xf32, #tpu.memory_space<vmem>>[vector<16xi32>], vector<16xf32>,
      %lt3A = arith.constant 1563 : i32
      %lt3A_228 = vector.broadcast %lt3A : i32 to vector<16xi32>
      %lt3A_229 = arith.cmpi slt, %add3A_225, %lt3A_228 : vector<16xi32>
      %lt3A_230 = arith.cmpf olt, %gather3A, %get3A_220 : vector<16xf32>
      %and3A = arith.andi %lt3A_229, %lt3A_230 : vector<16xi1>
      %add3A_231 = arith.constant 1024 : i32
      %add3A_232 = vector.broadcast %add3A_231 : i32 to vector<16xi32>
      %add3A_233 = arith.addi %broadcast_in_dim3A_222, %add3A_232 : vector<16xi32>
      %select_n3A = arith.select %and3A, %add3A_233, %broadcast_in_dim3A_222 : vector<16xi1>, vector<16xi32>
      %add3A_234 = arith.constant 511 : i32
      %add3A_235 = vector.broadcast %add3A_234 : i32 to vector<16xi32>
      %add3A_236 = arith.addi %select_n3A, %add3A_235 : vector<16xi32>
      %min3A_237 = arith.constant 1562 : i32
      %min3A_238 = vector.broadcast %min3A_237 : i32 to vector<16xi32>
      %min3A_239 = arith.minsi %add3A_236, %min3A_238 : vector<16xi32>
      %gather3A_240 = tpu.vector_load_idx %arg9[%min3A_239] : memref<1568xf32, #tpu.memory_space<vmem>>[vector<16xi32>], vector<16xf32>,
      %lt3A_241 = arith.constant 1563 : i32
      %lt3A_242 = vector.broadcast %lt3A_241 : i32 to vector<16xi32>
      %lt3A_243 = arith.cmpi slt, %add3A_236, %lt3A_242 : vector<16xi32>
      %lt3A_244 = arith.cmpf olt, %gather3A_240, %get3A_220 : vector<16xf32>
      %and3A_245 = arith.andi %lt3A_243, %lt3A_244 : vector<16xi1>
      %add3A_246 = arith.constant 512 : i32
      %add3A_247 = vector.broadcast %add3A_246 : i32 to vector<16xi32>
      %add3A_248 = arith.addi %select_n3A, %add3A_247 : vector<16xi32>
      %select_n3A_249 = arith.select %and3A_245, %add3A_248, %select_n3A : vector<16xi1>, vector<16xi32>
      %add3A_250 = arith.constant 255 : i32
      %add3A_251 = vector.broadcast %add3A_250 : i32 to vector<16xi32>
      %add3A_252 = arith.addi %select_n3A_249, %add3A_251 : vector<16xi32>
      %min3A_253 = arith.constant 1562 : i32
      %min3A_254 = vector.broadcast %min3A_253 : i32 to vector<16xi32>
      %min3A_255 = arith.minsi %add3A_252, %min3A_254 : vector<16xi32>
      %gather3A_256 = tpu.vector_load_idx %arg9[%min3A_255] : memref<1568xf32, #tpu.memory_space<vmem>>[vector<16xi32>], vector<16xf32>,
      %lt3A_257 = arith.constant 1563 : i32
      %lt3A_258 = vector.broadcast %lt3A_257 : i32 to vector<16xi32>
      %lt3A_259 = arith.cmpi slt, %add3A_252, %lt3A_258 : vector<16xi32>
      %lt3A_260 = arith.cmpf olt, %gather3A_256, %get3A_220 : vector<16xf32>
      %and3A_261 = arith.andi %lt3A_259, %lt3A_260 : vector<16xi1>
      %add3A_262 = arith.constant 256 : i32
      %add3A_263 = vector.broadcast %add3A_262 : i32 to vector<16xi32>
      %add3A_264 = arith.addi %select_n3A_249, %add3A_263 : vector<16xi32>
      %select_n3A_265 = arith.select %and3A_261, %add3A_264, %select_n3A_249 : vector<16xi1>, vector<16xi32>
      %add3A_266 = arith.constant 127 : i32
      %add3A_267 = vector.broadcast %add3A_266 : i32 to vector<16xi32>
      %add3A_268 = arith.addi %select_n3A_265, %add3A_267 : vector<16xi32>
      %min3A_269 = arith.constant 1562 : i32
      %min3A_270 = vector.broadcast %min3A_269 : i32 to vector<16xi32>
      %min3A_271 = arith.minsi %add3A_268, %min3A_270 : vector<16xi32>
      %gather3A_272 = tpu.vector_load_idx %arg9[%min3A_271] : memref<1568xf32, #tpu.memory_space<vmem>>[vector<16xi32>], vector<16xf32>,
      %lt3A_273 = arith.constant 1563 : i32
      %lt3A_274 = vector.broadcast %lt3A_273 : i32 to vector<16xi32>
      %lt3A_275 = arith.cmpi slt, %add3A_268, %lt3A_274 : vector<16xi32>
      %lt3A_276 = arith.cmpf olt, %gather3A_272, %get3A_220 : vector<16xf32>
      %and3A_277 = arith.andi %lt3A_275, %lt3A_276 : vector<16xi1>
      %add3A_278 = arith.constant 128 : i32
      %add3A_279 = vector.broadcast %add3A_278 : i32 to vector<16xi32>
      %add3A_280 = arith.addi %select_n3A_265, %add3A_279 : vector<16xi32>
      %select_n3A_281 = arith.select %and3A_277, %add3A_280, %select_n3A_265 : vector<16xi1>, vector<16xi32>
      %add3A_282 = arith.constant 63 : i32
      %add3A_283 = vector.broadcast %add3A_282 : i32 to vector<16xi32>
      %add3A_284 = arith.addi %select_n3A_281, %add3A_283 : vector<16xi32>
      %min3A_285 = arith.constant 1562 : i32
      %min3A_286 = vector.broadcast %min3A_285 : i32 to vector<16xi32>
      %min3A_287 = arith.minsi %add3A_284, %min3A_286 : vector<16xi32>
      %gather3A_288 = tpu.vector_load_idx %arg9[%min3A_287] : memref<1568xf32, #tpu.memory_space<vmem>>[vector<16xi32>], vector<16xf32>,
      %lt3A_289 = arith.constant 1563 : i32
      %lt3A_290 = vector.broadcast %lt3A_289 : i32 to vector<16xi32>
      %lt3A_291 = arith.cmpi slt, %add3A_284, %lt3A_290 : vector<16xi32>
      %lt3A_292 = arith.cmpf olt, %gather3A_288, %get3A_220 : vector<16xf32>
      %and3A_293 = arith.andi %lt3A_291, %lt3A_292 : vector<16xi1>
      %add3A_294 = arith.constant 64 : i32
      %add3A_295 = vector.broadcast %add3A_294 : i32 to vector<16xi32>
      %add3A_296 = arith.addi %select_n3A_281, %add3A_295 : vector<16xi32>
      %select_n3A_297 = arith.select %and3A_293, %add3A_296, %select_n3A_281 : vector<16xi1>, vector<16xi32>
      %add3A_298 = arith.constant 31 : i32
      %add3A_299 = vector.broadcast %add3A_298 : i32 to vector<16xi32>
      %add3A_300 = arith.addi %select_n3A_297, %add3A_299 : vector<16xi32>
      %min3A_301 = arith.constant 1562 : i32
      %min3A_302 = vector.broadcast %min3A_301 : i32 to vector<16xi32>
      %min3A_303 = arith.minsi %add3A_300, %min3A_302 : vector<16xi32>
      %gather3A_304 = tpu.vector_load_idx %arg9[%min3A_303] : memref<1568xf32, #tpu.memory_space<vmem>>[vector<16xi32>], vector<16xf32>,
      %lt3A_305 = arith.constant 1563 : i32
      %lt3A_306 = vector.broadcast %lt3A_305 : i32 to vector<16xi32>
      %lt3A_307 = arith.cmpi slt, %add3A_300, %lt3A_306 : vector<16xi32>
      %lt3A_308 = arith.cmpf olt, %gather3A_304, %get3A_220 : vector<16xf32>
      %and3A_309 = arith.andi %lt3A_307, %lt3A_308 : vector<16xi1>
      %add3A_310 = arith.constant 32 : i32
      %add3A_311 = vector.broadcast %add3A_310 : i32 to vector<16xi32>
      %add3A_312 = arith.addi %select_n3A_297, %add3A_311 : vector<16xi32>
      %select_n3A_313 = arith.select %and3A_309, %add3A_312, %select_n3A_297 : vector<16xi1>, vector<16xi32>
      %add3A_314 = arith.constant 15 : i32
      %add3A_315 = vector.broadcast %add3A_314 : i32 to vector<16xi32>
      %add3A_316 = arith.addi %select_n3A_313, %add3A_315 : vector<16xi32>
      %min3A_317 = arith.constant 1562 : i32
      %min3A_318 = vector.broadcast %min3A_317 : i32 to vector<16xi32>
      %min3A_319 = arith.minsi %add3A_316, %min3A_318 : vector<16xi32>
      %gather3A_320 = tpu.vector_load_idx %arg9[%min3A_319] : memref<1568xf32, #tpu.memory_space<vmem>>[vector<16xi32>], vector<16xf32>,
      %lt3A_321 = arith.constant 1563 : i32
      %lt3A_322 = vector.broadcast %lt3A_321 : i32 to vector<16xi32>
      %lt3A_323 = arith.cmpi slt, %add3A_316, %lt3A_322 : vector<16xi32>
      %lt3A_324 = arith.cmpf olt, %gather3A_320, %get3A_220 : vector<16xf32>
      %and3A_325 = arith.andi %lt3A_323, %lt3A_324 : vector<16xi1>
      %add3A_326 = arith.constant 16 : i32
      %add3A_327 = vector.broadcast %add3A_326 : i32 to vector<16xi32>
      %add3A_328 = arith.addi %select_n3A_313, %add3A_327 : vector<16xi32>
      %select_n3A_329 = arith.select %and3A_325, %add3A_328, %select_n3A_313 : vector<16xi1>, vector<16xi32>
      %add3A_330 = arith.constant 7 : i32
      %add3A_331 = vector.broadcast %add3A_330 : i32 to vector<16xi32>
      %add3A_332 = arith.addi %select_n3A_329, %add3A_331 : vector<16xi32>
      %min3A_333 = arith.constant 1562 : i32
      %min3A_334 = vector.broadcast %min3A_333 : i32 to vector<16xi32>
      %min3A_335 = arith.minsi %add3A_332, %min3A_334 : vector<16xi32>
      %gather3A_336 = tpu.vector_load_idx %arg9[%min3A_335] : memref<1568xf32, #tpu.memory_space<vmem>>[vector<16xi32>], vector<16xf32>,
      %lt3A_337 = arith.constant 1563 : i32
      %lt3A_338 = vector.broadcast %lt3A_337 : i32 to vector<16xi32>
      %lt3A_339 = arith.cmpi slt, %add3A_332, %lt3A_338 : vector<16xi32>
      %lt3A_340 = arith.cmpf olt, %gather3A_336, %get3A_220 : vector<16xf32>
      %and3A_341 = arith.andi %lt3A_339, %lt3A_340 : vector<16xi1>
      %add3A_342 = arith.constant 8 : i32
      %add3A_343 = vector.broadcast %add3A_342 : i32 to vector<16xi32>
      %add3A_344 = arith.addi %select_n3A_329, %add3A_343 : vector<16xi32>
      %select_n3A_345 = arith.select %and3A_341, %add3A_344, %select_n3A_329 : vector<16xi1>, vector<16xi32>
      %add3A_346 = arith.constant 3 : i32
      %add3A_347 = vector.broadcast %add3A_346 : i32 to vector<16xi32>
      %add3A_348 = arith.addi %select_n3A_345, %add3A_347 : vector<16xi32>
      %min3A_349 = arith.constant 1562 : i32
      %min3A_350 = vector.broadcast %min3A_349 : i32 to vector<16xi32>
      %min3A_351 = arith.minsi %add3A_348, %min3A_350 : vector<16xi32>
      %gather3A_352 = tpu.vector_load_idx %arg9[%min3A_351] : memref<1568xf32, #tpu.memory_space<vmem>>[vector<16xi32>], vector<16xf32>,
      %lt3A_353 = arith.constant 1563 : i32
      %lt3A_354 = vector.broadcast %lt3A_353 : i32 to vector<16xi32>
      %lt3A_355 = arith.cmpi slt, %add3A_348, %lt3A_354 : vector<16xi32>
      %lt3A_356 = arith.cmpf olt, %gather3A_352, %get3A_220 : vector<16xf32>
      %and3A_357 = arith.andi %lt3A_355, %lt3A_356 : vector<16xi1>
      %add3A_358 = arith.constant 4 : i32
      %add3A_359 = vector.broadcast %add3A_358 : i32 to vector<16xi32>
      %add3A_360 = arith.addi %select_n3A_345, %add3A_359 : vector<16xi32>
      %select_n3A_361 = arith.select %and3A_357, %add3A_360, %select_n3A_345 : vector<16xi1>, vector<16xi32>
      %add3A_362 = arith.constant 1 : i32
      %add3A_363 = vector.broadcast %add3A_362 : i32 to vector<16xi32>
      %add3A_364 = arith.addi %select_n3A_361, %add3A_363 : vector<16xi32>
      %min3A_365 = arith.constant 1562 : i32
      %min3A_366 = vector.broadcast %min3A_365 : i32 to vector<16xi32>
      %min3A_367 = arith.minsi %add3A_364, %min3A_366 : vector<16xi32>
      %gather3A_368 = tpu.vector_load_idx %arg9[%min3A_367] : memref<1568xf32, #tpu.memory_space<vmem>>[vector<16xi32>], vector<16xf32>,
      %lt3A_369 = arith.constant 1563 : i32
      %lt3A_370 = vector.broadcast %lt3A_369 : i32 to vector<16xi32>
      %lt3A_371 = arith.cmpi slt, %add3A_364, %lt3A_370 : vector<16xi32>
      %lt3A_372 = arith.cmpf olt, %gather3A_368, %get3A_220 : vector<16xf32>
      %and3A_373 = arith.andi %lt3A_371, %lt3A_372 : vector<16xi1>
      %add3A_374 = arith.constant 2 : i32
      %add3A_375 = vector.broadcast %add3A_374 : i32 to vector<16xi32>
      %add3A_376 = arith.addi %select_n3A_361, %add3A_375 : vector<16xi32>
      %select_n3A_377 = arith.select %and3A_373, %add3A_376, %select_n3A_361 : vector<16xi1>, vector<16xi32>
      %add3A_378 = arith.constant 0 : i32
      %add3A_379 = vector.broadcast %add3A_378 : i32 to vector<16xi32>
      %add3A_380 = arith.addi %select_n3A_377, %add3A_379 : vector<16xi32>
      %min3A_381 = arith.constant 1562 : i32
      %min3A_382 = vector.broadcast %min3A_381 : i32 to vector<16xi32>
      %min3A_383 = arith.minsi %add3A_380, %min3A_382 : vector<16xi32>
      %gather3A_384 = tpu.vector_load_idx %arg9[%min3A_383] : memref<1568xf32, #tpu.memory_space<vmem>>[vector<16xi32>], vector<16xf32>,
      %lt3A_385 = arith.constant 1563 : i32
      %lt3A_386 = vector.broadcast %lt3A_385 : i32 to vector<16xi32>
      %lt3A_387 = arith.cmpi slt, %add3A_380, %lt3A_386 : vector<16xi32>
      %lt3A_388 = arith.cmpf olt, %gather3A_384, %get3A_220 : vector<16xf32>
      %and3A_389 = arith.andi %lt3A_387, %lt3A_388 : vector<16xi1>
      %add3A_390 = arith.constant 1 : i32
      %add3A_391 = vector.broadcast %add3A_390 : i32 to vector<16xi32>
      %add3A_392 = arith.addi %select_n3A_377, %add3A_391 : vector<16xi32>
      %select_n3A_393 = arith.select %and3A_389, %add3A_392, %select_n3A_377 : vector<16xi1>, vector<16xi32>
      %mul3A_394 = arith.constant 16 : i32
      %mul3A_395 = arith.muli %scan3A_215, %mul3A_394 : i32
      %swap3A_396 = arith.constant 1 : i32
      %swap3A_397 = arith.index_cast %swap3A_396 : i32 to index
      %swap3A_398 = arith.index_cast %mul3A_395 : i32 to index
      %swap3A_399 = tpu.vector_load %arg13[%swap3A_397, %swap3A_398] {strides = array<i32>} : memref<4x128xi32, #tpu.memory_space<vmem>>, vector<16xi32>,
      tpu.vector_store %arg13[%swap3A_397, %swap3A_398], %select_n3A_393 {strides = array<i32>} : memref<4x128xi32, #tpu.memory_space<vmem>>, vector<16xi32>,
    }
    %scan3A_69 = arith.constant 8 : i32
    %dma_start3A_70 = arith.constant 1 : i32
    %dma_start3A_71 = arith.constant 128 : i32
    %dma_start3A_72 = arith.constant 0 : i32
    %dma_start3A_73 = tpu.memref_slice %arg10[%dma_start3A_71, %dma_start3A_72] : memref<512x64xf32, #tpu.memory_space<vmem>> -> memref<128x64xf32, #tpu.memory_space<vmem>>
    %dma_start3A_74 = arith.constant 0 : i32
    %dma_start3A_75 = tpu.memref_slice %arg13[%dma_start3A_70, %dma_start3A_74] : memref<4x128xi32, #tpu.memory_space<vmem>> -> memref<1x128xi32, #tpu.memory_space<vmem>>
    %dma_start3A_76 = tpu.memref_squeeze %dma_start3A_75 : memref<1x128xi32, #tpu.memory_space<vmem>> -> memref<128xi32, #tpu.memory_space<vmem>>
    %dma_start3A_77 = arith.constant 0 : i32
    %dma_start3A_78 = arith.constant 0 : i32
    %dma_start3A_79 = tpu.memref_slice %arg2[%dma_start3A_77, %dma_start3A_78] : memref<1563x64xf32, #tpu.memory_space<hbm>> -> memref<1563x64xf32, #tpu.memory_space<hbm>>
    tpu.enqueue_indirect_dma source(%dma_start3A_79 : memref<1563x64xf32, #tpu.memory_space<hbm>>) target(%dma_start3A_73 : memref<128x64xf32, #tpu.memory_space<vmem>>) offsets(%dma_start3A_76 : memref<128xi32, #tpu.memory_space<vmem>>) semaphore(%arg22 : memref<!tpu.dma_semaphore, #tpu.memory_space<semaphore_mem>>)
    %scan3A_80 = arith.constant 0 : i32
    %scan3A_81 = arith.constant 0 : i32
    %scan3A_82 = arith.constant 8 : i32
    %scan3A_83 = arith.addi %scan3A_81, %scan3A_82 : i32
    %scan3A_84 = arith.constant 1 : i32
    scf.for %scan3A_215 = %scan3A_81 to %scan3A_83 step %scan3A_84  : i32 {
      %add3A_216 = arith.constant 16 : i32
      %add3A_217 = arith.addi %add3A_216, %scan3A_215 : i32
      %mul3A_218 = arith.constant 16 : i32
      %mul3A_219 = arith.muli %add3A_217, %mul3A_218 : i32
      %get3A = arith.index_cast %mul3A_219 : i32 to index
      %get3A_220 = tpu.vector_load %arg11[%get3A] {strides = array<i32>} : memref<512xf32, #tpu.memory_space<vmem>>, vector<16xf32>,
      %broadcast_in_dim3A_221 = arith.constant 0 : i32
      %broadcast_in_dim3A_222 = vector.broadcast %broadcast_in_dim3A_221 : i32 to vector<16xi32>
      %add3A_223 = arith.constant 1023 : i32
      %add3A_224 = vector.broadcast %add3A_223 : i32 to vector<16xi32>
      %add3A_225 = arith.addi %broadcast_in_dim3A_222, %add3A_224 : vector<16xi32>
      %min3A = arith.constant 1562 : i32
      %min3A_226 = vector.broadcast %min3A : i32 to vector<16xi32>
      %min3A_227 = arith.minsi %add3A_225, %min3A_226 : vector<16xi32>
      %gather3A = tpu.vector_load_idx %arg9[%min3A_227] : memref<1568xf32, #tpu.memory_space<vmem>>[vector<16xi32>], vector<16xf32>,
      %lt3A = arith.constant 1563 : i32
      %lt3A_228 = vector.broadcast %lt3A : i32 to vector<16xi32>
      %lt3A_229 = arith.cmpi slt, %add3A_225, %lt3A_228 : vector<16xi32>
      %lt3A_230 = arith.cmpf olt, %gather3A, %get3A_220 : vector<16xf32>
      %and3A = arith.andi %lt3A_229, %lt3A_230 : vector<16xi1>
      %add3A_231 = arith.constant 1024 : i32
      %add3A_232 = vector.broadcast %add3A_231 : i32 to vector<16xi32>
      %add3A_233 = arith.addi %broadcast_in_dim3A_222, %add3A_232 : vector<16xi32>
      %select_n3A = arith.select %and3A, %add3A_233, %broadcast_in_dim3A_222 : vector<16xi1>, vector<16xi32>
      %add3A_234 = arith.constant 511 : i32
      %add3A_235 = vector.broadcast %add3A_234 : i32 to vector<16xi32>
      %add3A_236 = arith.addi %select_n3A, %add3A_235 : vector<16xi32>
      %min3A_237 = arith.constant 1562 : i32
      %min3A_238 = vector.broadcast %min3A_237 : i32 to vector<16xi32>
      %min3A_239 = arith.minsi %add3A_236, %min3A_238 : vector<16xi32>
      %gather3A_240 = tpu.vector_load_idx %arg9[%min3A_239] : memref<1568xf32, #tpu.memory_space<vmem>>[vector<16xi32>], vector<16xf32>,
      %lt3A_241 = arith.constant 1563 : i32
      %lt3A_242 = vector.broadcast %lt3A_241 : i32 to vector<16xi32>
      %lt3A_243 = arith.cmpi slt, %add3A_236, %lt3A_242 : vector<16xi32>
      %lt3A_244 = arith.cmpf olt, %gather3A_240, %get3A_220 : vector<16xf32>
      %and3A_245 = arith.andi %lt3A_243, %lt3A_244 : vector<16xi1>
      %add3A_246 = arith.constant 512 : i32
      %add3A_247 = vector.broadcast %add3A_246 : i32 to vector<16xi32>
      %add3A_248 = arith.addi %select_n3A, %add3A_247 : vector<16xi32>
      %select_n3A_249 = arith.select %and3A_245, %add3A_248, %select_n3A : vector<16xi1>, vector<16xi32>
      %add3A_250 = arith.constant 255 : i32
      %add3A_251 = vector.broadcast %add3A_250 : i32 to vector<16xi32>
      %add3A_252 = arith.addi %select_n3A_249, %add3A_251 : vector<16xi32>
      %min3A_253 = arith.constant 1562 : i32
      %min3A_254 = vector.broadcast %min3A_253 : i32 to vector<16xi32>
      %min3A_255 = arith.minsi %add3A_252, %min3A_254 : vector<16xi32>
      %gather3A_256 = tpu.vector_load_idx %arg9[%min3A_255] : memref<1568xf32, #tpu.memory_space<vmem>>[vector<16xi32>], vector<16xf32>,
      %lt3A_257 = arith.constant 1563 : i32
      %lt3A_258 = vector.broadcast %lt3A_257 : i32 to vector<16xi32>
      %lt3A_259 = arith.cmpi slt, %add3A_252, %lt3A_258 : vector<16xi32>
      %lt3A_260 = arith.cmpf olt, %gather3A_256, %get3A_220 : vector<16xf32>
      %and3A_261 = arith.andi %lt3A_259, %lt3A_260 : vector<16xi1>
      %add3A_262 = arith.constant 256 : i32
      %add3A_263 = vector.broadcast %add3A_262 : i32 to vector<16xi32>
      %add3A_264 = arith.addi %select_n3A_249, %add3A_263 : vector<16xi32>
      %select_n3A_265 = arith.select %and3A_261, %add3A_264, %select_n3A_249 : vector<16xi1>, vector<16xi32>
      %add3A_266 = arith.constant 127 : i32
      %add3A_267 = vector.broadcast %add3A_266 : i32 to vector<16xi32>
      %add3A_268 = arith.addi %select_n3A_265, %add3A_267 : vector<16xi32>
      %min3A_269 = arith.constant 1562 : i32
      %min3A_270 = vector.broadcast %min3A_269 : i32 to vector<16xi32>
      %min3A_271 = arith.minsi %add3A_268, %min3A_270 : vector<16xi32>
      %gather3A_272 = tpu.vector_load_idx %arg9[%min3A_271] : memref<1568xf32, #tpu.memory_space<vmem>>[vector<16xi32>], vector<16xf32>,
      %lt3A_273 = arith.constant 1563 : i32
      %lt3A_274 = vector.broadcast %lt3A_273 : i32 to vector<16xi32>
      %lt3A_275 = arith.cmpi slt, %add3A_268, %lt3A_274 : vector<16xi32>
      %lt3A_276 = arith.cmpf olt, %gather3A_272, %get3A_220 : vector<16xf32>
      %and3A_277 = arith.andi %lt3A_275, %lt3A_276 : vector<16xi1>
      %add3A_278 = arith.constant 128 : i32
      %add3A_279 = vector.broadcast %add3A_278 : i32 to vector<16xi32>
      %add3A_280 = arith.addi %select_n3A_265, %add3A_279 : vector<16xi32>
      %select_n3A_281 = arith.select %and3A_277, %add3A_280, %select_n3A_265 : vector<16xi1>, vector<16xi32>
      %add3A_282 = arith.constant 63 : i32
      %add3A_283 = vector.broadcast %add3A_282 : i32 to vector<16xi32>
      %add3A_284 = arith.addi %select_n3A_281, %add3A_283 : vector<16xi32>
      %min3A_285 = arith.constant 1562 : i32
      %min3A_286 = vector.broadcast %min3A_285 : i32 to vector<16xi32>
      %min3A_287 = arith.minsi %add3A_284, %min3A_286 : vector<16xi32>
      %gather3A_288 = tpu.vector_load_idx %arg9[%min3A_287] : memref<1568xf32, #tpu.memory_space<vmem>>[vector<16xi32>], vector<16xf32>,
      %lt3A_289 = arith.constant 1563 : i32
      %lt3A_290 = vector.broadcast %lt3A_289 : i32 to vector<16xi32>
      %lt3A_291 = arith.cmpi slt, %add3A_284, %lt3A_290 : vector<16xi32>
      %lt3A_292 = arith.cmpf olt, %gather3A_288, %get3A_220 : vector<16xf32>
      %and3A_293 = arith.andi %lt3A_291, %lt3A_292 : vector<16xi1>
      %add3A_294 = arith.constant 64 : i32
      %add3A_295 = vector.broadcast %add3A_294 : i32 to vector<16xi32>
      %add3A_296 = arith.addi %select_n3A_281, %add3A_295 : vector<16xi32>
      %select_n3A_297 = arith.select %and3A_293, %add3A_296, %select_n3A_281 : vector<16xi1>, vector<16xi32>
      %add3A_298 = arith.constant 31 : i32
      %add3A_299 = vector.broadcast %add3A_298 : i32 to vector<16xi32>
      %add3A_300 = arith.addi %select_n3A_297, %add3A_299 : vector<16xi32>
      %min3A_301 = arith.constant 1562 : i32
      %min3A_302 = vector.broadcast %min3A_301 : i32 to vector<16xi32>
      %min3A_303 = arith.minsi %add3A_300, %min3A_302 : vector<16xi32>
      %gather3A_304 = tpu.vector_load_idx %arg9[%min3A_303] : memref<1568xf32, #tpu.memory_space<vmem>>[vector<16xi32>], vector<16xf32>,
      %lt3A_305 = arith.constant 1563 : i32
      %lt3A_306 = vector.broadcast %lt3A_305 : i32 to vector<16xi32>
      %lt3A_307 = arith.cmpi slt, %add3A_300, %lt3A_306 : vector<16xi32>
      %lt3A_308 = arith.cmpf olt, %gather3A_304, %get3A_220 : vector<16xf32>
      %and3A_309 = arith.andi %lt3A_307, %lt3A_308 : vector<16xi1>
      %add3A_310 = arith.constant 32 : i32
      %add3A_311 = vector.broadcast %add3A_310 : i32 to vector<16xi32>
      %add3A_312 = arith.addi %select_n3A_297, %add3A_311 : vector<16xi32>
      %select_n3A_313 = arith.select %and3A_309, %add3A_312, %select_n3A_297 : vector<16xi1>, vector<16xi32>
      %add3A_314 = arith.constant 15 : i32
      %add3A_315 = vector.broadcast %add3A_314 : i32 to vector<16xi32>
      %add3A_316 = arith.addi %select_n3A_313, %add3A_315 : vector<16xi32>
      %min3A_317 = arith.constant 1562 : i32
      %min3A_318 = vector.broadcast %min3A_317 : i32 to vector<16xi32>
      %min3A_319 = arith.minsi %add3A_316, %min3A_318 : vector<16xi32>
      %gather3A_320 = tpu.vector_load_idx %arg9[%min3A_319] : memref<1568xf32, #tpu.memory_space<vmem>>[vector<16xi32>], vector<16xf32>,
      %lt3A_321 = arith.constant 1563 : i32
      %lt3A_322 = vector.broadcast %lt3A_321 : i32 to vector<16xi32>
      %lt3A_323 = arith.cmpi slt, %add3A_316, %lt3A_322 : vector<16xi32>
      %lt3A_324 = arith.cmpf olt, %gather3A_320, %get3A_220 : vector<16xf32>
      %and3A_325 = arith.andi %lt3A_323, %lt3A_324 : vector<16xi1>
      %add3A_326 = arith.constant 16 : i32
      %add3A_327 = vector.broadcast %add3A_326 : i32 to vector<16xi32>
      %add3A_328 = arith.addi %select_n3A_313, %add3A_327 : vector<16xi32>
      %select_n3A_329 = arith.select %and3A_325, %add3A_328, %select_n3A_313 : vector<16xi1>, vector<16xi32>
      %add3A_330 = arith.constant 7 : i32
      %add3A_331 = vector.broadcast %add3A_330 : i32 to vector<16xi32>
      %add3A_332 = arith.addi %select_n3A_329, %add3A_331 : vector<16xi32>
      %min3A_333 = arith.constant 1562 : i32
      %min3A_334 = vector.broadcast %min3A_333 : i32 to vector<16xi32>
      %min3A_335 = arith.minsi %add3A_332, %min3A_334 : vector<16xi32>
      %gather3A_336 = tpu.vector_load_idx %arg9[%min3A_335] : memref<1568xf32, #tpu.memory_space<vmem>>[vector<16xi32>], vector<16xf32>,
      %lt3A_337 = arith.constant 1563 : i32
      %lt3A_338 = vector.broadcast %lt3A_337 : i32 to vector<16xi32>
      %lt3A_339 = arith.cmpi slt, %add3A_332, %lt3A_338 : vector<16xi32>
      %lt3A_340 = arith.cmpf olt, %gather3A_336, %get3A_220 : vector<16xf32>
      %and3A_341 = arith.andi %lt3A_339, %lt3A_340 : vector<16xi1>
      %add3A_342 = arith.constant 8 : i32
      %add3A_343 = vector.broadcast %add3A_342 : i32 to vector<16xi32>
      %add3A_344 = arith.addi %select_n3A_329, %add3A_343 : vector<16xi32>
      %select_n3A_345 = arith.select %and3A_341, %add3A_344, %select_n3A_329 : vector<16xi1>, vector<16xi32>
      %add3A_346 = arith.constant 3 : i32
      %add3A_347 = vector.broadcast %add3A_346 : i32 to vector<16xi32>
      %add3A_348 = arith.addi %select_n3A_345, %add3A_347 : vector<16xi32>
      %min3A_349 = arith.constant 1562 : i32
      %min3A_350 = vector.broadcast %min3A_349 : i32 to vector<16xi32>
      %min3A_351 = arith.minsi %add3A_348, %min3A_350 : vector<16xi32>
      %gather3A_352 = tpu.vector_load_idx %arg9[%min3A_351] : memref<1568xf32, #tpu.memory_space<vmem>>[vector<16xi32>], vector<16xf32>,
      %lt3A_353 = arith.constant 1563 : i32
      %lt3A_354 = vector.broadcast %lt3A_353 : i32 to vector<16xi32>
      %lt3A_355 = arith.cmpi slt, %add3A_348, %lt3A_354 : vector<16xi32>
      %lt3A_356 = arith.cmpf olt, %gather3A_352, %get3A_220 : vector<16xf32>
      %and3A_357 = arith.andi %lt3A_355, %lt3A_356 : vector<16xi1>
      %add3A_358 = arith.constant 4 : i32
      %add3A_359 = vector.broadcast %add3A_358 : i32 to vector<16xi32>
      %add3A_360 = arith.addi %select_n3A_345, %add3A_359 : vector<16xi32>
      %select_n3A_361 = arith.select %and3A_357, %add3A_360, %select_n3A_345 : vector<16xi1>, vector<16xi32>
      %add3A_362 = arith.constant 1 : i32
      %add3A_363 = vector.broadcast %add3A_362 : i32 to vector<16xi32>
      %add3A_364 = arith.addi %select_n3A_361, %add3A_363 : vector<16xi32>
      %min3A_365 = arith.constant 1562 : i32
      %min3A_366 = vector.broadcast %min3A_365 : i32 to vector<16xi32>
      %min3A_367 = arith.minsi %add3A_364, %min3A_366 : vector<16xi32>
      %gather3A_368 = tpu.vector_load_idx %arg9[%min3A_367] : memref<1568xf32, #tpu.memory_space<vmem>>[vector<16xi32>], vector<16xf32>,
      %lt3A_369 = arith.constant 1563 : i32
      %lt3A_370 = vector.broadcast %lt3A_369 : i32 to vector<16xi32>
      %lt3A_371 = arith.cmpi slt, %add3A_364, %lt3A_370 : vector<16xi32>
      %lt3A_372 = arith.cmpf olt, %gather3A_368, %get3A_220 : vector<16xf32>
      %and3A_373 = arith.andi %lt3A_371, %lt3A_372 : vector<16xi1>
      %add3A_374 = arith.constant 2 : i32
      %add3A_375 = vector.broadcast %add3A_374 : i32 to vector<16xi32>
      %add3A_376 = arith.addi %select_n3A_361, %add3A_375 : vector<16xi32>
      %select_n3A_377 = arith.select %and3A_373, %add3A_376, %select_n3A_361 : vector<16xi1>, vector<16xi32>
      %add3A_378 = arith.constant 0 : i32
      %add3A_379 = vector.broadcast %add3A_378 : i32 to vector<16xi32>
      %add3A_380 = arith.addi %select_n3A_377, %add3A_379 : vector<16xi32>
      %min3A_381 = arith.constant 1562 : i32
      %min3A_382 = vector.broadcast %min3A_381 : i32 to vector<16xi32>
      %min3A_383 = arith.minsi %add3A_380, %min3A_382 : vector<16xi32>
      %gather3A_384 = tpu.vector_load_idx %arg9[%min3A_383] : memref<1568xf32, #tpu.memory_space<vmem>>[vector<16xi32>], vector<16xf32>,
      %lt3A_385 = arith.constant 1563 : i32
      %lt3A_386 = vector.broadcast %lt3A_385 : i32 to vector<16xi32>
      %lt3A_387 = arith.cmpi slt, %add3A_380, %lt3A_386 : vector<16xi32>
      %lt3A_388 = arith.cmpf olt, %gather3A_384, %get3A_220 : vector<16xf32>
      %and3A_389 = arith.andi %lt3A_387, %lt3A_388 : vector<16xi1>
      %add3A_390 = arith.constant 1 : i32
      %add3A_391 = vector.broadcast %add3A_390 : i32 to vector<16xi32>
      %add3A_392 = arith.addi %select_n3A_377, %add3A_391 : vector<16xi32>
      %select_n3A_393 = arith.select %and3A_389, %add3A_392, %select_n3A_377 : vector<16xi1>, vector<16xi32>
      %mul3A_394 = arith.constant 16 : i32
      %mul3A_395 = arith.muli %scan3A_215, %mul3A_394 : i32
      %swap3A_396 = arith.constant 2 : i32
      %swap3A_397 = arith.index_cast %swap3A_396 : i32 to index
      %swap3A_398 = arith.index_cast %mul3A_395 : i32 to index
      %swap3A_399 = tpu.vector_load %arg13[%swap3A_397, %swap3A_398] {strides = array<i32>} : memref<4x128xi32, #tpu.memory_space<vmem>>, vector<16xi32>,
      tpu.vector_store %arg13[%swap3A_397, %swap3A_398], %select_n3A_393 {strides = array<i32>} : memref<4x128xi32, #tpu.memory_space<vmem>>, vector<16xi32>,
    }
    %scan3A_85 = arith.constant 8 : i32
    %dma_start3A_86 = arith.constant 2 : i32
    %dma_start3A_87 = arith.constant 256 : i32
    %dma_start3A_88 = arith.constant 0 : i32
    %dma_start3A_89 = tpu.memref_slice %arg10[%dma_start3A_87, %dma_start3A_88] : memref<512x64xf32, #tpu.memory_space<vmem>> -> memref<128x64xf32, #tpu.memory_space<vmem>>
    %dma_start3A_90 = arith.constant 0 : i32
    %dma_start3A_91 = tpu.memref_slice %arg13[%dma_start3A_86, %dma_start3A_90] : memref<4x128xi32, #tpu.memory_space<vmem>> -> memref<1x128xi32, #tpu.memory_space<vmem>>
    %dma_start3A_92 = tpu.memref_squeeze %dma_start3A_91 : memref<1x128xi32, #tpu.memory_space<vmem>> -> memref<128xi32, #tpu.memory_space<vmem>>
    %dma_start3A_93 = arith.constant 0 : i32
    %dma_start3A_94 = arith.constant 0 : i32
    %dma_start3A_95 = tpu.memref_slice %arg2[%dma_start3A_93, %dma_start3A_94] : memref<1563x64xf32, #tpu.memory_space<hbm>> -> memref<1563x64xf32, #tpu.memory_space<hbm>>
    tpu.enqueue_indirect_dma source(%dma_start3A_95 : memref<1563x64xf32, #tpu.memory_space<hbm>>) target(%dma_start3A_89 : memref<128x64xf32, #tpu.memory_space<vmem>>) offsets(%dma_start3A_92 : memref<128xi32, #tpu.memory_space<vmem>>) semaphore(%arg22 : memref<!tpu.dma_semaphore, #tpu.memory_space<semaphore_mem>>)
    %scan3A_96 = arith.constant 0 : i32
    %scan3A_97 = arith.constant 0 : i32
    %scan3A_98 = arith.constant 8 : i32
    %scan3A_99 = arith.addi %scan3A_97, %scan3A_98 : i32
    %scan3A_100 = arith.constant 1 : i32
    scf.for %scan3A_215 = %scan3A_97 to %scan3A_99 step %scan3A_100  : i32 {
      %add3A_216 = arith.constant 24 : i32
      %add3A_217 = arith.addi %add3A_216, %scan3A_215 : i32
      %mul3A_218 = arith.constant 16 : i32
      %mul3A_219 = arith.muli %add3A_217, %mul3A_218 : i32
      %get3A = arith.index_cast %mul3A_219 : i32 to index
      %get3A_220 = tpu.vector_load %arg11[%get3A] {strides = array<i32>} : memref<512xf32, #tpu.memory_space<vmem>>, vector<16xf32>,
      %broadcast_in_dim3A_221 = arith.constant 0 : i32
      %broadcast_in_dim3A_222 = vector.broadcast %broadcast_in_dim3A_221 : i32 to vector<16xi32>
      %add3A_223 = arith.constant 1023 : i32
      %add3A_224 = vector.broadcast %add3A_223 : i32 to vector<16xi32>
      %add3A_225 = arith.addi %broadcast_in_dim3A_222, %add3A_224 : vector<16xi32>
      %min3A = arith.constant 1562 : i32
      %min3A_226 = vector.broadcast %min3A : i32 to vector<16xi32>
      %min3A_227 = arith.minsi %add3A_225, %min3A_226 : vector<16xi32>
      %gather3A = tpu.vector_load_idx %arg9[%min3A_227] : memref<1568xf32, #tpu.memory_space<vmem>>[vector<16xi32>], vector<16xf32>,
      %lt3A = arith.constant 1563 : i32
      %lt3A_228 = vector.broadcast %lt3A : i32 to vector<16xi32>
      %lt3A_229 = arith.cmpi slt, %add3A_225, %lt3A_228 : vector<16xi32>
      %lt3A_230 = arith.cmpf olt, %gather3A, %get3A_220 : vector<16xf32>
      %and3A = arith.andi %lt3A_229, %lt3A_230 : vector<16xi1>
      %add3A_231 = arith.constant 1024 : i32
      %add3A_232 = vector.broadcast %add3A_231 : i32 to vector<16xi32>
      %add3A_233 = arith.addi %broadcast_in_dim3A_222, %add3A_232 : vector<16xi32>
      %select_n3A = arith.select %and3A, %add3A_233, %broadcast_in_dim3A_222 : vector<16xi1>, vector<16xi32>
      %add3A_234 = arith.constant 511 : i32
      %add3A_235 = vector.broadcast %add3A_234 : i32 to vector<16xi32>
      %add3A_236 = arith.addi %select_n3A, %add3A_235 : vector<16xi32>
      %min3A_237 = arith.constant 1562 : i32
      %min3A_238 = vector.broadcast %min3A_237 : i32 to vector<16xi32>
      %min3A_239 = arith.minsi %add3A_236, %min3A_238 : vector<16xi32>
      %gather3A_240 = tpu.vector_load_idx %arg9[%min3A_239] : memref<1568xf32, #tpu.memory_space<vmem>>[vector<16xi32>], vector<16xf32>,
      %lt3A_241 = arith.constant 1563 : i32
      %lt3A_242 = vector.broadcast %lt3A_241 : i32 to vector<16xi32>
      %lt3A_243 = arith.cmpi slt, %add3A_236, %lt3A_242 : vector<16xi32>
      %lt3A_244 = arith.cmpf olt, %gather3A_240, %get3A_220 : vector<16xf32>
      %and3A_245 = arith.andi %lt3A_243, %lt3A_244 : vector<16xi1>
      %add3A_246 = arith.constant 512 : i32
      %add3A_247 = vector.broadcast %add3A_246 : i32 to vector<16xi32>
      %add3A_248 = arith.addi %select_n3A, %add3A_247 : vector<16xi32>
      %select_n3A_249 = arith.select %and3A_245, %add3A_248, %select_n3A : vector<16xi1>, vector<16xi32>
      %add3A_250 = arith.constant 255 : i32
      %add3A_251 = vector.broadcast %add3A_250 : i32 to vector<16xi32>
      %add3A_252 = arith.addi %select_n3A_249, %add3A_251 : vector<16xi32>
      %min3A_253 = arith.constant 1562 : i32
      %min3A_254 = vector.broadcast %min3A_253 : i32 to vector<16xi32>
      %min3A_255 = arith.minsi %add3A_252, %min3A_254 : vector<16xi32>
      %gather3A_256 = tpu.vector_load_idx %arg9[%min3A_255] : memref<1568xf32, #tpu.memory_space<vmem>>[vector<16xi32>], vector<16xf32>,
      %lt3A_257 = arith.constant 1563 : i32
      %lt3A_258 = vector.broadcast %lt3A_257 : i32 to vector<16xi32>
      %lt3A_259 = arith.cmpi slt, %add3A_252, %lt3A_258 : vector<16xi32>
      %lt3A_260 = arith.cmpf olt, %gather3A_256, %get3A_220 : vector<16xf32>
      %and3A_261 = arith.andi %lt3A_259, %lt3A_260 : vector<16xi1>
      %add3A_262 = arith.constant 256 : i32
      %add3A_263 = vector.broadcast %add3A_262 : i32 to vector<16xi32>
      %add3A_264 = arith.addi %select_n3A_249, %add3A_263 : vector<16xi32>
      %select_n3A_265 = arith.select %and3A_261, %add3A_264, %select_n3A_249 : vector<16xi1>, vector<16xi32>
      %add3A_266 = arith.constant 127 : i32
      %add3A_267 = vector.broadcast %add3A_266 : i32 to vector<16xi32>
      %add3A_268 = arith.addi %select_n3A_265, %add3A_267 : vector<16xi32>
      %min3A_269 = arith.constant 1562 : i32
      %min3A_270 = vector.broadcast %min3A_269 : i32 to vector<16xi32>
      %min3A_271 = arith.minsi %add3A_268, %min3A_270 : vector<16xi32>
      %gather3A_272 = tpu.vector_load_idx %arg9[%min3A_271] : memref<1568xf32, #tpu.memory_space<vmem>>[vector<16xi32>], vector<16xf32>,
      %lt3A_273 = arith.constant 1563 : i32
      %lt3A_274 = vector.broadcast %lt3A_273 : i32 to vector<16xi32>
      %lt3A_275 = arith.cmpi slt, %add3A_268, %lt3A_274 : vector<16xi32>
      %lt3A_276 = arith.cmpf olt, %gather3A_272, %get3A_220 : vector<16xf32>
      %and3A_277 = arith.andi %lt3A_275, %lt3A_276 : vector<16xi1>
      %add3A_278 = arith.constant 128 : i32
      %add3A_279 = vector.broadcast %add3A_278 : i32 to vector<16xi32>
      %add3A_280 = arith.addi %select_n3A_265, %add3A_279 : vector<16xi32>
      %select_n3A_281 = arith.select %and3A_277, %add3A_280, %select_n3A_265 : vector<16xi1>, vector<16xi32>
      %add3A_282 = arith.constant 63 : i32
      %add3A_283 = vector.broadcast %add3A_282 : i32 to vector<16xi32>
      %add3A_284 = arith.addi %select_n3A_281, %add3A_283 : vector<16xi32>
      %min3A_285 = arith.constant 1562 : i32
      %min3A_286 = vector.broadcast %min3A_285 : i32 to vector<16xi32>
      %min3A_287 = arith.minsi %add3A_284, %min3A_286 : vector<16xi32>
      %gather3A_288 = tpu.vector_load_idx %arg9[%min3A_287] : memref<1568xf32, #tpu.memory_space<vmem>>[vector<16xi32>], vector<16xf32>,
      %lt3A_289 = arith.constant 1563 : i32
      %lt3A_290 = vector.broadcast %lt3A_289 : i32 to vector<16xi32>
      %lt3A_291 = arith.cmpi slt, %add3A_284, %lt3A_290 : vector<16xi32>
      %lt3A_292 = arith.cmpf olt, %gather3A_288, %get3A_220 : vector<16xf32>
      %and3A_293 = arith.andi %lt3A_291, %lt3A_292 : vector<16xi1>
      %add3A_294 = arith.constant 64 : i32
      %add3A_295 = vector.broadcast %add3A_294 : i32 to vector<16xi32>
      %add3A_296 = arith.addi %select_n3A_281, %add3A_295 : vector<16xi32>
      %select_n3A_297 = arith.select %and3A_293, %add3A_296, %select_n3A_281 : vector<16xi1>, vector<16xi32>
      %add3A_298 = arith.constant 31 : i32
      %add3A_299 = vector.broadcast %add3A_298 : i32 to vector<16xi32>
      %add3A_300 = arith.addi %select_n3A_297, %add3A_299 : vector<16xi32>
      %min3A_301 = arith.constant 1562 : i32
      %min3A_302 = vector.broadcast %min3A_301 : i32 to vector<16xi32>
      %min3A_303 = arith.minsi %add3A_300, %min3A_302 : vector<16xi32>
      %gather3A_304 = tpu.vector_load_idx %arg9[%min3A_303] : memref<1568xf32, #tpu.memory_space<vmem>>[vector<16xi32>], vector<16xf32>,
      %lt3A_305 = arith.constant 1563 : i32
      %lt3A_306 = vector.broadcast %lt3A_305 : i32 to vector<16xi32>
      %lt3A_307 = arith.cmpi slt, %add3A_300, %lt3A_306 : vector<16xi32>
      %lt3A_308 = arith.cmpf olt, %gather3A_304, %get3A_220 : vector<16xf32>
      %and3A_309 = arith.andi %lt3A_307, %lt3A_308 : vector<16xi1>
      %add3A_310 = arith.constant 32 : i32
      %add3A_311 = vector.broadcast %add3A_310 : i32 to vector<16xi32>
      %add3A_312 = arith.addi %select_n3A_297, %add3A_311 : vector<16xi32>
      %select_n3A_313 = arith.select %and3A_309, %add3A_312, %select_n3A_297 : vector<16xi1>, vector<16xi32>
      %add3A_314 = arith.constant 15 : i32
      %add3A_315 = vector.broadcast %add3A_314 : i32 to vector<16xi32>
      %add3A_316 = arith.addi %select_n3A_313, %add3A_315 : vector<16xi32>
      %min3A_317 = arith.constant 1562 : i32
      %min3A_318 = vector.broadcast %min3A_317 : i32 to vector<16xi32>
      %min3A_319 = arith.minsi %add3A_316, %min3A_318 : vector<16xi32>
      %gather3A_320 = tpu.vector_load_idx %arg9[%min3A_319] : memref<1568xf32, #tpu.memory_space<vmem>>[vector<16xi32>], vector<16xf32>,
      %lt3A_321 = arith.constant 1563 : i32
      %lt3A_322 = vector.broadcast %lt3A_321 : i32 to vector<16xi32>
      %lt3A_323 = arith.cmpi slt, %add3A_316, %lt3A_322 : vector<16xi32>
      %lt3A_324 = arith.cmpf olt, %gather3A_320, %get3A_220 : vector<16xf32>
      %and3A_325 = arith.andi %lt3A_323, %lt3A_324 : vector<16xi1>
      %add3A_326 = arith.constant 16 : i32
      %add3A_327 = vector.broadcast %add3A_326 : i32 to vector<16xi32>
      %add3A_328 = arith.addi %select_n3A_313, %add3A_327 : vector<16xi32>
      %select_n3A_329 = arith.select %and3A_325, %add3A_328, %select_n3A_313 : vector<16xi1>, vector<16xi32>
      %add3A_330 = arith.constant 7 : i32
      %add3A_331 = vector.broadcast %add3A_330 : i32 to vector<16xi32>
      %add3A_332 = arith.addi %select_n3A_329, %add3A_331 : vector<16xi32>
      %min3A_333 = arith.constant 1562 : i32
      %min3A_334 = vector.broadcast %min3A_333 : i32 to vector<16xi32>
      %min3A_335 = arith.minsi %add3A_332, %min3A_334 : vector<16xi32>
      %gather3A_336 = tpu.vector_load_idx %arg9[%min3A_335] : memref<1568xf32, #tpu.memory_space<vmem>>[vector<16xi32>], vector<16xf32>,
      %lt3A_337 = arith.constant 1563 : i32
      %lt3A_338 = vector.broadcast %lt3A_337 : i32 to vector<16xi32>
      %lt3A_339 = arith.cmpi slt, %add3A_332, %lt3A_338 : vector<16xi32>
      %lt3A_340 = arith.cmpf olt, %gather3A_336, %get3A_220 : vector<16xf32>
      %and3A_341 = arith.andi %lt3A_339, %lt3A_340 : vector<16xi1>
      %add3A_342 = arith.constant 8 : i32
      %add3A_343 = vector.broadcast %add3A_342 : i32 to vector<16xi32>
      %add3A_344 = arith.addi %select_n3A_329, %add3A_343 : vector<16xi32>
      %select_n3A_345 = arith.select %and3A_341, %add3A_344, %select_n3A_329 : vector<16xi1>, vector<16xi32>
      %add3A_346 = arith.constant 3 : i32
      %add3A_347 = vector.broadcast %add3A_346 : i32 to vector<16xi32>
      %add3A_348 = arith.addi %select_n3A_345, %add3A_347 : vector<16xi32>
      %min3A_349 = arith.constant 1562 : i32
      %min3A_350 = vector.broadcast %min3A_349 : i32 to vector<16xi32>
      %min3A_351 = arith.minsi %add3A_348, %min3A_350 : vector<16xi32>
      %gather3A_352 = tpu.vector_load_idx %arg9[%min3A_351] : memref<1568xf32, #tpu.memory_space<vmem>>[vector<16xi32>], vector<16xf32>,
      %lt3A_353 = arith.constant 1563 : i32
      %lt3A_354 = vector.broadcast %lt3A_353 : i32 to vector<16xi32>
      %lt3A_355 = arith.cmpi slt, %add3A_348, %lt3A_354 : vector<16xi32>
      %lt3A_356 = arith.cmpf olt, %gather3A_352, %get3A_220 : vector<16xf32>
      %and3A_357 = arith.andi %lt3A_355, %lt3A_356 : vector<16xi1>
      %add3A_358 = arith.constant 4 : i32
      %add3A_359 = vector.broadcast %add3A_358 : i32 to vector<16xi32>
      %add3A_360 = arith.addi %select_n3A_345, %add3A_359 : vector<16xi32>
      %select_n3A_361 = arith.select %and3A_357, %add3A_360, %select_n3A_345 : vector<16xi1>, vector<16xi32>
      %add3A_362 = arith.constant 1 : i32
      %add3A_363 = vector.broadcast %add3A_362 : i32 to vector<16xi32>
      %add3A_364 = arith.addi %select_n3A_361, %add3A_363 : vector<16xi32>
      %min3A_365 = arith.constant 1562 : i32
      %min3A_366 = vector.broadcast %min3A_365 : i32 to vector<16xi32>
      %min3A_367 = arith.minsi %add3A_364, %min3A_366 : vector<16xi32>
      %gather3A_368 = tpu.vector_load_idx %arg9[%min3A_367] : memref<1568xf32, #tpu.memory_space<vmem>>[vector<16xi32>], vector<16xf32>,
      %lt3A_369 = arith.constant 1563 : i32
      %lt3A_370 = vector.broadcast %lt3A_369 : i32 to vector<16xi32>
      %lt3A_371 = arith.cmpi slt, %add3A_364, %lt3A_370 : vector<16xi32>
      %lt3A_372 = arith.cmpf olt, %gather3A_368, %get3A_220 : vector<16xf32>
      %and3A_373 = arith.andi %lt3A_371, %lt3A_372 : vector<16xi1>
      %add3A_374 = arith.constant 2 : i32
      %add3A_375 = vector.broadcast %add3A_374 : i32 to vector<16xi32>
      %add3A_376 = arith.addi %select_n3A_361, %add3A_375 : vector<16xi32>
      %select_n3A_377 = arith.select %and3A_373, %add3A_376, %select_n3A_361 : vector<16xi1>, vector<16xi32>
      %add3A_378 = arith.constant 0 : i32
      %add3A_379 = vector.broadcast %add3A_378 : i32 to vector<16xi32>
      %add3A_380 = arith.addi %select_n3A_377, %add3A_379 : vector<16xi32>
      %min3A_381 = arith.constant 1562 : i32
      %min3A_382 = vector.broadcast %min3A_381 : i32 to vector<16xi32>
      %min3A_383 = arith.minsi %add3A_380, %min3A_382 : vector<16xi32>
      %gather3A_384 = tpu.vector_load_idx %arg9[%min3A_383] : memref<1568xf32, #tpu.memory_space<vmem>>[vector<16xi32>], vector<16xf32>,
      %lt3A_385 = arith.constant 1563 : i32
      %lt3A_386 = vector.broadcast %lt3A_385 : i32 to vector<16xi32>
      %lt3A_387 = arith.cmpi slt, %add3A_380, %lt3A_386 : vector<16xi32>
      %lt3A_388 = arith.cmpf olt, %gather3A_384, %get3A_220 : vector<16xf32>
      %and3A_389 = arith.andi %lt3A_387, %lt3A_388 : vector<16xi1>
      %add3A_390 = arith.constant 1 : i32
      %add3A_391 = vector.broadcast %add3A_390 : i32 to vector<16xi32>
      %add3A_392 = arith.addi %select_n3A_377, %add3A_391 : vector<16xi32>
      %select_n3A_393 = arith.select %and3A_389, %add3A_392, %select_n3A_377 : vector<16xi1>, vector<16xi32>
      %mul3A_394 = arith.constant 16 : i32
      %mul3A_395 = arith.muli %scan3A_215, %mul3A_394 : i32
      %swap3A_396 = arith.constant 3 : i32
      %swap3A_397 = arith.index_cast %swap3A_396 : i32 to index
      %swap3A_398 = arith.index_cast %mul3A_395 : i32 to index
      %swap3A_399 = tpu.vector_load %arg13[%swap3A_397, %swap3A_398] {strides = array<i32>} : memref<4x128xi32, #tpu.memory_space<vmem>>, vector<16xi32>,
      tpu.vector_store %arg13[%swap3A_397, %swap3A_398], %select_n3A_393 {strides = array<i32>} : memref<4x128xi32, #tpu.memory_space<vmem>>, vector<16xi32>,
    }
    %scan3A_101 = arith.constant 8 : i32
    %dma_start3A_102 = arith.constant 3 : i32
    %dma_start3A_103 = arith.constant 384 : i32
    %dma_start3A_104 = arith.constant 0 : i32
    %dma_start3A_105 = tpu.memref_slice %arg10[%dma_start3A_103, %dma_start3A_104] : memref<512x64xf32, #tpu.memory_space<vmem>> -> memref<128x64xf32, #tpu.memory_space<vmem>>
    %dma_start3A_106 = arith.constant 0 : i32
    %dma_start3A_107 = tpu.memref_slice %arg13[%dma_start3A_102, %dma_start3A_106] : memref<4x128xi32, #tpu.memory_space<vmem>> -> memref<1x128xi32, #tpu.memory_space<vmem>>
    %dma_start3A_108 = tpu.memref_squeeze %dma_start3A_107 : memref<1x128xi32, #tpu.memory_space<vmem>> -> memref<128xi32, #tpu.memory_space<vmem>>
    %dma_start3A_109 = arith.constant 0 : i32
    %dma_start3A_110 = arith.constant 0 : i32
    %dma_start3A_111 = tpu.memref_slice %arg2[%dma_start3A_109, %dma_start3A_110] : memref<1563x64xf32, #tpu.memory_space<hbm>> -> memref<1563x64xf32, #tpu.memory_space<hbm>>
    tpu.enqueue_indirect_dma source(%dma_start3A_111 : memref<1563x64xf32, #tpu.memory_space<hbm>>) target(%dma_start3A_105 : memref<128x64xf32, #tpu.memory_space<vmem>>) offsets(%dma_start3A_108 : memref<128xi32, #tpu.memory_space<vmem>>) semaphore(%arg22 : memref<!tpu.dma_semaphore, #tpu.memory_space<semaphore_mem>>)
    %barrier3A = arith.constant 0 : index
    tpu.barrier barrier_id(%barrier3A)
    %dma_wait3A_112 = arith.constant 0 : i32
    %dma_wait3A_113 = arith.constant 0 : i32
    %dma_wait3A_114 = arith.constant 0 : i32
    %dma_wait3A_115 = tpu.memref_slice %arg10[%dma_wait3A_113, %dma_wait3A_114] : memref<512x64xf32, #tpu.memory_space<vmem>> -> memref<128x64xf32, #tpu.memory_space<vmem>>
    %dma_wait3A_116 = arith.constant 0 : i32
    %dma_wait3A_117 = tpu.memref_slice %arg13[%dma_wait3A_112, %dma_wait3A_116] : memref<4x128xi32, #tpu.memory_space<vmem>> -> memref<1x128xi32, #tpu.memory_space<vmem>>
    %dma_wait3A_118 = tpu.memref_squeeze %dma_wait3A_117 : memref<1x128xi32, #tpu.memory_space<vmem>> -> memref<128xi32, #tpu.memory_space<vmem>>
    %dma_wait3A_119 = arith.constant 0 : i32
    %dma_wait3A_120 = arith.constant 0 : i32
    %dma_wait3A_121 = tpu.memref_slice %arg2[%dma_wait3A_119, %dma_wait3A_120] : memref<1563x64xf32, #tpu.memory_space<hbm>> -> memref<1563x64xf32, #tpu.memory_space<hbm>>
    tpu.wait_indirect_dma semaphore(%arg22 : memref<!tpu.dma_semaphore, #tpu.memory_space<semaphore_mem>>) src(%dma_wait3A_121 : memref<1563x64xf32, #tpu.memory_space<hbm>>) dst(%dma_wait3A_115 : memref<128x64xf32, #tpu.memory_space<vmem>>)
    %scan3A_122 = arith.constant 0 : i32
    %scan3A_123 = arith.constant 0 : i32
    %scan3A_124 = arith.constant 8 : i32
    %scan3A_125 = arith.addi %scan3A_123, %scan3A_124 : i32
    %scan3A_126 = arith.constant 1 : i32
    scf.for %scan3A_215 = %scan3A_123 to %scan3A_125 step %scan3A_126  : i32 {
      %add3A_216 = arith.constant 0 : i32
      %add3A_217 = arith.addi %add3A_216, %scan3A_215 : i32
      %mul3A_218 = arith.constant 16 : i32
      %mul3A_219 = arith.muli %add3A_217, %mul3A_218 : i32
      %get3A = arith.index_cast %mul3A_219 : i32 to index
      %get3A_220 = tpu.vector_load %arg11[%get3A] {strides = array<i32>} : memref<512xf32, #tpu.memory_space<vmem>>, vector<16xf32>,
      %mul3A_221 = arith.constant 16 : i32
      %mul3A_222 = arith.muli %scan3A_215, %mul3A_221 : i32
      %get3A_223 = arith.constant 0 : i32
      %get3A_224 = arith.index_cast %get3A_223 : i32 to index
      %get3A_225 = arith.index_cast %mul3A_222 : i32 to index
      %get3A_226 = tpu.vector_load %arg13[%get3A_224, %get3A_225] {strides = array<i32>} : memref<4x128xi32, #tpu.memory_space<vmem>>, vector<16xi32>,
      %iota3A = tpu.iota {dimensions = array<i32: 0>} : vector<16xi32>
      %mul3A_227 = arith.constant 16 : i32
      %mul3A_228 = arith.muli %add3A_217, %mul3A_227 : i32
      %add3A_229 = vector.broadcast %mul3A_228 : i32 to vector<16xi32>
      %add3A_230 = arith.addi %iota3A, %add3A_229 : vector<16xi32>
      %broadcast_in_dim3A_231 = arith.constant 0 : i32
      %broadcast_in_dim3A_232 = vector.broadcast %broadcast_in_dim3A_231 : i32 to vector<16xi32>
      %add3A_233 = arith.constant 31 : i32
      %add3A_234 = vector.broadcast %add3A_233 : i32 to vector<16xi32>
      %add3A_235 = arith.addi %broadcast_in_dim3A_232, %add3A_234 : vector<16xi32>
      %gather3A = tpu.vector_load_idx %arg10[%add3A_230, %add3A_235] : memref<512x64xf32, #tpu.memory_space<vmem>>[vector<16xi32>, vector<16xi32>], vector<16xf32>,
      %lt3A = arith.cmpf olt, %gather3A, %get3A_220 : vector<16xf32>
      %add3A_236 = arith.constant 32 : i32
      %add3A_237 = vector.broadcast %add3A_236 : i32 to vector<16xi32>
      %add3A_238 = arith.addi %broadcast_in_dim3A_232, %add3A_237 : vector<16xi32>
      %select_n3A = arith.select %lt3A, %add3A_238, %broadcast_in_dim3A_232 : vector<16xi1>, vector<16xi32>
      %add3A_239 = arith.constant 15 : i32
      %add3A_240 = vector.broadcast %add3A_239 : i32 to vector<16xi32>
      %add3A_241 = arith.addi %select_n3A, %add3A_240 : vector<16xi32>
      %gather3A_242 = tpu.vector_load_idx %arg10[%add3A_230, %add3A_241] : memref<512x64xf32, #tpu.memory_space<vmem>>[vector<16xi32>, vector<16xi32>], vector<16xf32>,
      %lt3A_243 = arith.cmpf olt, %gather3A_242, %get3A_220 : vector<16xf32>
      %add3A_244 = arith.constant 16 : i32
      %add3A_245 = vector.broadcast %add3A_244 : i32 to vector<16xi32>
      %add3A_246 = arith.addi %select_n3A, %add3A_245 : vector<16xi32>
      %select_n3A_247 = arith.select %lt3A_243, %add3A_246, %select_n3A : vector<16xi1>, vector<16xi32>
      %add3A_248 = arith.constant 7 : i32
      %add3A_249 = vector.broadcast %add3A_248 : i32 to vector<16xi32>
      %add3A_250 = arith.addi %select_n3A_247, %add3A_249 : vector<16xi32>
      %gather3A_251 = tpu.vector_load_idx %arg10[%add3A_230, %add3A_250] : memref<512x64xf32, #tpu.memory_space<vmem>>[vector<16xi32>, vector<16xi32>], vector<16xf32>,
      %lt3A_252 = arith.cmpf olt, %gather3A_251, %get3A_220 : vector<16xf32>
      %add3A_253 = arith.constant 8 : i32
      %add3A_254 = vector.broadcast %add3A_253 : i32 to vector<16xi32>
      %add3A_255 = arith.addi %select_n3A_247, %add3A_254 : vector<16xi32>
      %select_n3A_256 = arith.select %lt3A_252, %add3A_255, %select_n3A_247 : vector<16xi1>, vector<16xi32>
      %add3A_257 = arith.constant 3 : i32
      %add3A_258 = vector.broadcast %add3A_257 : i32 to vector<16xi32>
      %add3A_259 = arith.addi %select_n3A_256, %add3A_258 : vector<16xi32>
      %gather3A_260 = tpu.vector_load_idx %arg10[%add3A_230, %add3A_259] : memref<512x64xf32, #tpu.memory_space<vmem>>[vector<16xi32>, vector<16xi32>], vector<16xf32>,
      %lt3A_261 = arith.cmpf olt, %gather3A_260, %get3A_220 : vector<16xf32>
      %add3A_262 = arith.constant 4 : i32
      %add3A_263 = vector.broadcast %add3A_262 : i32 to vector<16xi32>
      %add3A_264 = arith.addi %select_n3A_256, %add3A_263 : vector<16xi32>
      %select_n3A_265 = arith.select %lt3A_261, %add3A_264, %select_n3A_256 : vector<16xi1>, vector<16xi32>
      %add3A_266 = arith.constant 1 : i32
      %add3A_267 = vector.broadcast %add3A_266 : i32 to vector<16xi32>
      %add3A_268 = arith.addi %select_n3A_265, %add3A_267 : vector<16xi32>
      %gather3A_269 = tpu.vector_load_idx %arg10[%add3A_230, %add3A_268] : memref<512x64xf32, #tpu.memory_space<vmem>>[vector<16xi32>, vector<16xi32>], vector<16xf32>,
      %lt3A_270 = arith.cmpf olt, %gather3A_269, %get3A_220 : vector<16xf32>
      %add3A_271 = arith.constant 2 : i32
      %add3A_272 = vector.broadcast %add3A_271 : i32 to vector<16xi32>
      %add3A_273 = arith.addi %select_n3A_265, %add3A_272 : vector<16xi32>
      %select_n3A_274 = arith.select %lt3A_270, %add3A_273, %select_n3A_265 : vector<16xi1>, vector<16xi32>
      %add3A_275 = arith.constant 0 : i32
      %add3A_276 = vector.broadcast %add3A_275 : i32 to vector<16xi32>
      %add3A_277 = arith.addi %select_n3A_274, %add3A_276 : vector<16xi32>
      %gather3A_278 = tpu.vector_load_idx %arg10[%add3A_230, %add3A_277] : memref<512x64xf32, #tpu.memory_space<vmem>>[vector<16xi32>, vector<16xi32>], vector<16xf32>,
      %lt3A_279 = arith.cmpf olt, %gather3A_278, %get3A_220 : vector<16xf32>
      %add3A_280 = arith.constant 1 : i32
      %add3A_281 = vector.broadcast %add3A_280 : i32 to vector<16xi32>
      %add3A_282 = arith.addi %select_n3A_274, %add3A_281 : vector<16xi32>
      %select_n3A_283 = arith.select %lt3A_279, %add3A_282, %select_n3A_274 : vector<16xi1>, vector<16xi32>
      %mul3A_284 = arith.constant 64 : i32
      %mul3A_285 = vector.broadcast %mul3A_284 : i32 to vector<16xi32>
      %mul3A_286 = arith.muli %get3A_226, %mul3A_285 : vector<16xi32>
      %add3A_287 = arith.addi %mul3A_286, %select_n3A_283 : vector<16xi32>
      %mul3A_288 = arith.constant 16 : i32
      %mul3A_289 = arith.muli %add3A_217, %mul3A_288 : i32
      %swap3A_290 = arith.index_cast %mul3A_289 : i32 to index
      %swap3A_291 = tpu.vector_load %arg12[%swap3A_290] {strides = array<i32>} : memref<512xi32, #tpu.memory_space<vmem>>, vector<16xi32>,
      tpu.vector_store %arg12[%swap3A_290], %add3A_287 {strides = array<i32>} : memref<512xi32, #tpu.memory_space<vmem>>, vector<16xi32>,
      %mul3A_292 = arith.constant 16 : i32
      %mul3A_293 = arith.muli %scan3A_215, %mul3A_292 : i32
      %swap3A_294 = arith.constant 0 : i32
      %swap3A_295 = arith.index_cast %swap3A_294 : i32 to index
      %swap3A_296 = arith.index_cast %mul3A_293 : i32 to index
      %swap3A_297 = tpu.vector_load %arg14[%swap3A_295, %swap3A_296] {strides = array<i32>} : memref<4x128xi32, #tpu.memory_space<vmem>>, vector<16xi32>,
      tpu.vector_store %arg14[%swap3A_295, %swap3A_296], %add3A_287 {strides = array<i32>} : memref<4x128xi32, #tpu.memory_space<vmem>>, vector<16xi32>,
    }
    %scan3A_127 = arith.constant 8 : i32
    %dma_start3A_128 = arith.constant 0 : i32
    %dma_start3A_129 = arith.constant 0 : i32
    %dma_start3A_130 = tpu.memref_slice %arg14[%dma_start3A_128, %dma_start3A_129] : memref<4x128xi32, #tpu.memory_space<vmem>> -> memref<1x128xi32, #tpu.memory_space<vmem>>
    %dma_start3A_131 = tpu.memref_squeeze %dma_start3A_130 : memref<1x128xi32, #tpu.memory_space<vmem>> -> memref<128xi32, #tpu.memory_space<vmem>>
    %dma_start3A_132 = arith.constant 0 : i32
    %dma_start3A_133 = tpu.memref_slice %arg18[%dma_start3A_132] : memref<100000xi32, #tpu.memory_space<vmem_shared>> -> memref<100000xi32, #tpu.memory_space<vmem_shared>>
    tpu.enqueue_indirect_dma source(%arg17 : memref<128xi32, #tpu.memory_space<vmem>>) target(%dma_start3A_133 : memref<100000xi32, #tpu.memory_space<vmem_shared>>) offsets(%dma_start3A_131 : memref<128xi32, #tpu.memory_space<vmem>>) semaphore(%arg23 : memref<!tpu.dma_semaphore, #tpu.memory_space<semaphore_mem>>) {add = true}
    %dma_wait3A_134 = arith.constant 1 : i32
    %dma_wait3A_135 = arith.constant 128 : i32
    %dma_wait3A_136 = arith.constant 0 : i32
    %dma_wait3A_137 = tpu.memref_slice %arg10[%dma_wait3A_135, %dma_wait3A_136] : memref<512x64xf32, #tpu.memory_space<vmem>> -> memref<128x64xf32, #tpu.memory_space<vmem>>
    %dma_wait3A_138 = arith.constant 0 : i32
    %dma_wait3A_139 = tpu.memref_slice %arg13[%dma_wait3A_134, %dma_wait3A_138] : memref<4x128xi32, #tpu.memory_space<vmem>> -> memref<1x128xi32, #tpu.memory_space<vmem>>
    %dma_wait3A_140 = tpu.memref_squeeze %dma_wait3A_139 : memref<1x128xi32, #tpu.memory_space<vmem>> -> memref<128xi32, #tpu.memory_space<vmem>>
    %dma_wait3A_141 = arith.constant 0 : i32
    %dma_wait3A_142 = arith.constant 0 : i32
    %dma_wait3A_143 = tpu.memref_slice %arg2[%dma_wait3A_141, %dma_wait3A_142] : memref<1563x64xf32, #tpu.memory_space<hbm>> -> memref<1563x64xf32, #tpu.memory_space<hbm>>
    tpu.wait_indirect_dma semaphore(%arg22 : memref<!tpu.dma_semaphore, #tpu.memory_space<semaphore_mem>>) src(%dma_wait3A_143 : memref<1563x64xf32, #tpu.memory_space<hbm>>) dst(%dma_wait3A_137 : memref<128x64xf32, #tpu.memory_space<vmem>>)
    %scan3A_144 = arith.constant 0 : i32
    %scan3A_145 = arith.constant 0 : i32
    %scan3A_146 = arith.constant 8 : i32
    %scan3A_147 = arith.addi %scan3A_145, %scan3A_146 : i32
    %scan3A_148 = arith.constant 1 : i32
    scf.for %scan3A_215 = %scan3A_145 to %scan3A_147 step %scan3A_148  : i32 {
      %add3A_216 = arith.constant 8 : i32
      %add3A_217 = arith.addi %add3A_216, %scan3A_215 : i32
      %mul3A_218 = arith.constant 16 : i32
      %mul3A_219 = arith.muli %add3A_217, %mul3A_218 : i32
      %get3A = arith.index_cast %mul3A_219 : i32 to index
      %get3A_220 = tpu.vector_load %arg11[%get3A] {strides = array<i32>} : memref<512xf32, #tpu.memory_space<vmem>>, vector<16xf32>,
      %mul3A_221 = arith.constant 16 : i32
      %mul3A_222 = arith.muli %scan3A_215, %mul3A_221 : i32
      %get3A_223 = arith.constant 1 : i32
      %get3A_224 = arith.index_cast %get3A_223 : i32 to index
      %get3A_225 = arith.index_cast %mul3A_222 : i32 to index
      %get3A_226 = tpu.vector_load %arg13[%get3A_224, %get3A_225] {strides = array<i32>} : memref<4x128xi32, #tpu.memory_space<vmem>>, vector<16xi32>,
      %iota3A = tpu.iota {dimensions = array<i32: 0>} : vector<16xi32>
      %mul3A_227 = arith.constant 16 : i32
      %mul3A_228 = arith.muli %add3A_217, %mul3A_227 : i32
      %add3A_229 = vector.broadcast %mul3A_228 : i32 to vector<16xi32>
      %add3A_230 = arith.addi %iota3A, %add3A_229 : vector<16xi32>
      %broadcast_in_dim3A_231 = arith.constant 0 : i32
      %broadcast_in_dim3A_232 = vector.broadcast %broadcast_in_dim3A_231 : i32 to vector<16xi32>
      %add3A_233 = arith.constant 31 : i32
      %add3A_234 = vector.broadcast %add3A_233 : i32 to vector<16xi32>
      %add3A_235 = arith.addi %broadcast_in_dim3A_232, %add3A_234 : vector<16xi32>
      %gather3A = tpu.vector_load_idx %arg10[%add3A_230, %add3A_235] : memref<512x64xf32, #tpu.memory_space<vmem>>[vector<16xi32>, vector<16xi32>], vector<16xf32>,
      %lt3A = arith.cmpf olt, %gather3A, %get3A_220 : vector<16xf32>
      %add3A_236 = arith.constant 32 : i32
      %add3A_237 = vector.broadcast %add3A_236 : i32 to vector<16xi32>
      %add3A_238 = arith.addi %broadcast_in_dim3A_232, %add3A_237 : vector<16xi32>
      %select_n3A = arith.select %lt3A, %add3A_238, %broadcast_in_dim3A_232 : vector<16xi1>, vector<16xi32>
      %add3A_239 = arith.constant 15 : i32
      %add3A_240 = vector.broadcast %add3A_239 : i32 to vector<16xi32>
      %add3A_241 = arith.addi %select_n3A, %add3A_240 : vector<16xi32>
      %gather3A_242 = tpu.vector_load_idx %arg10[%add3A_230, %add3A_241] : memref<512x64xf32, #tpu.memory_space<vmem>>[vector<16xi32>, vector<16xi32>], vector<16xf32>,
      %lt3A_243 = arith.cmpf olt, %gather3A_242, %get3A_220 : vector<16xf32>
      %add3A_244 = arith.constant 16 : i32
      %add3A_245 = vector.broadcast %add3A_244 : i32 to vector<16xi32>
      %add3A_246 = arith.addi %select_n3A, %add3A_245 : vector<16xi32>
      %select_n3A_247 = arith.select %lt3A_243, %add3A_246, %select_n3A : vector<16xi1>, vector<16xi32>
      %add3A_248 = arith.constant 7 : i32
      %add3A_249 = vector.broadcast %add3A_248 : i32 to vector<16xi32>
      %add3A_250 = arith.addi %select_n3A_247, %add3A_249 : vector<16xi32>
      %gather3A_251 = tpu.vector_load_idx %arg10[%add3A_230, %add3A_250] : memref<512x64xf32, #tpu.memory_space<vmem>>[vector<16xi32>, vector<16xi32>], vector<16xf32>,
      %lt3A_252 = arith.cmpf olt, %gather3A_251, %get3A_220 : vector<16xf32>
      %add3A_253 = arith.constant 8 : i32
      %add3A_254 = vector.broadcast %add3A_253 : i32 to vector<16xi32>
      %add3A_255 = arith.addi %select_n3A_247, %add3A_254 : vector<16xi32>
      %select_n3A_256 = arith.select %lt3A_252, %add3A_255, %select_n3A_247 : vector<16xi1>, vector<16xi32>
      %add3A_257 = arith.constant 3 : i32
      %add3A_258 = vector.broadcast %add3A_257 : i32 to vector<16xi32>
      %add3A_259 = arith.addi %select_n3A_256, %add3A_258 : vector<16xi32>
      %gather3A_260 = tpu.vector_load_idx %arg10[%add3A_230, %add3A_259] : memref<512x64xf32, #tpu.memory_space<vmem>>[vector<16xi32>, vector<16xi32>], vector<16xf32>,
      %lt3A_261 = arith.cmpf olt, %gather3A_260, %get3A_220 : vector<16xf32>
      %add3A_262 = arith.constant 4 : i32
      %add3A_263 = vector.broadcast %add3A_262 : i32 to vector<16xi32>
      %add3A_264 = arith.addi %select_n3A_256, %add3A_263 : vector<16xi32>
      %select_n3A_265 = arith.select %lt3A_261, %add3A_264, %select_n3A_256 : vector<16xi1>, vector<16xi32>
      %add3A_266 = arith.constant 1 : i32
      %add3A_267 = vector.broadcast %add3A_266 : i32 to vector<16xi32>
      %add3A_268 = arith.addi %select_n3A_265, %add3A_267 : vector<16xi32>
      %gather3A_269 = tpu.vector_load_idx %arg10[%add3A_230, %add3A_268] : memref<512x64xf32, #tpu.memory_space<vmem>>[vector<16xi32>, vector<16xi32>], vector<16xf32>,
      %lt3A_270 = arith.cmpf olt, %gather3A_269, %get3A_220 : vector<16xf32>
      %add3A_271 = arith.constant 2 : i32
      %add3A_272 = vector.broadcast %add3A_271 : i32 to vector<16xi32>
      %add3A_273 = arith.addi %select_n3A_265, %add3A_272 : vector<16xi32>
      %select_n3A_274 = arith.select %lt3A_270, %add3A_273, %select_n3A_265 : vector<16xi1>, vector<16xi32>
      %add3A_275 = arith.constant 0 : i32
      %add3A_276 = vector.broadcast %add3A_275 : i32 to vector<16xi32>
      %add3A_277 = arith.addi %select_n3A_274, %add3A_276 : vector<16xi32>
      %gather3A_278 = tpu.vector_load_idx %arg10[%add3A_230, %add3A_277] : memref<512x64xf32, #tpu.memory_space<vmem>>[vector<16xi32>, vector<16xi32>], vector<16xf32>,
      %lt3A_279 = arith.cmpf olt, %gather3A_278, %get3A_220 : vector<16xf32>
      %add3A_280 = arith.constant 1 : i32
      %add3A_281 = vector.broadcast %add3A_280 : i32 to vector<16xi32>
      %add3A_282 = arith.addi %select_n3A_274, %add3A_281 : vector<16xi32>
      %select_n3A_283 = arith.select %lt3A_279, %add3A_282, %select_n3A_274 : vector<16xi1>, vector<16xi32>
      %mul3A_284 = arith.constant 64 : i32
      %mul3A_285 = vector.broadcast %mul3A_284 : i32 to vector<16xi32>
      %mul3A_286 = arith.muli %get3A_226, %mul3A_285 : vector<16xi32>
      %add3A_287 = arith.addi %mul3A_286, %select_n3A_283 : vector<16xi32>
      %mul3A_288 = arith.constant 16 : i32
      %mul3A_289 = arith.muli %add3A_217, %mul3A_288 : i32
      %swap3A_290 = arith.index_cast %mul3A_289 : i32 to index
      %swap3A_291 = tpu.vector_load %arg12[%swap3A_290] {strides = array<i32>} : memref<512xi32, #tpu.memory_space<vmem>>, vector<16xi32>,
      tpu.vector_store %arg12[%swap3A_290], %add3A_287 {strides = array<i32>} : memref<512xi32, #tpu.memory_space<vmem>>, vector<16xi32>,
      %mul3A_292 = arith.constant 16 : i32
      %mul3A_293 = arith.muli %scan3A_215, %mul3A_292 : i32
      %swap3A_294 = arith.constant 1 : i32
      %swap3A_295 = arith.index_cast %swap3A_294 : i32 to index
      %swap3A_296 = arith.index_cast %mul3A_293 : i32 to index
      %swap3A_297 = tpu.vector_load %arg14[%swap3A_295, %swap3A_296] {strides = array<i32>} : memref<4x128xi32, #tpu.memory_space<vmem>>, vector<16xi32>,
      tpu.vector_store %arg14[%swap3A_295, %swap3A_296], %add3A_287 {strides = array<i32>} : memref<4x128xi32, #tpu.memory_space<vmem>>, vector<16xi32>,
    }
    %scan3A_149 = arith.constant 8 : i32
    %dma_start3A_150 = arith.constant 1 : i32
    %dma_start3A_151 = arith.constant 0 : i32
    %dma_start3A_152 = tpu.memref_slice %arg14[%dma_start3A_150, %dma_start3A_151] : memref<4x128xi32, #tpu.memory_space<vmem>> -> memref<1x128xi32, #tpu.memory_space<vmem>>
    %dma_start3A_153 = tpu.memref_squeeze %dma_start3A_152 : memref<1x128xi32, #tpu.memory_space<vmem>> -> memref<128xi32, #tpu.memory_space<vmem>>
    %dma_start3A_154 = arith.constant 0 : i32
    %dma_start3A_155 = tpu.memref_slice %arg18[%dma_start3A_154] : memref<100000xi32, #tpu.memory_space<vmem_shared>> -> memref<100000xi32, #tpu.memory_space<vmem_shared>>
    tpu.enqueue_indirect_dma source(%arg17 : memref<128xi32, #tpu.memory_space<vmem>>) target(%dma_start3A_155 : memref<100000xi32, #tpu.memory_space<vmem_shared>>) offsets(%dma_start3A_153 : memref<128xi32, #tpu.memory_space<vmem>>) semaphore(%arg23 : memref<!tpu.dma_semaphore, #tpu.memory_space<semaphore_mem>>) {add = true}
    %dma_wait3A_156 = arith.constant 2 : i32
    %dma_wait3A_157 = arith.constant 256 : i32
    %dma_wait3A_158 = arith.constant 0 : i32
    %dma_wait3A_159 = tpu.memref_slice %arg10[%dma_wait3A_157, %dma_wait3A_158] : memref<512x64xf32, #tpu.memory_space<vmem>> -> memref<128x64xf32, #tpu.memory_space<vmem>>
    %dma_wait3A_160 = arith.constant 0 : i32
    %dma_wait3A_161 = tpu.memref_slice %arg13[%dma_wait3A_156, %dma_wait3A_160] : memref<4x128xi32, #tpu.memory_space<vmem>> -> memref<1x128xi32, #tpu.memory_space<vmem>>
    %dma_wait3A_162 = tpu.memref_squeeze %dma_wait3A_161 : memref<1x128xi32, #tpu.memory_space<vmem>> -> memref<128xi32, #tpu.memory_space<vmem>>
    %dma_wait3A_163 = arith.constant 0 : i32
    %dma_wait3A_164 = arith.constant 0 : i32
    %dma_wait3A_165 = tpu.memref_slice %arg2[%dma_wait3A_163, %dma_wait3A_164] : memref<1563x64xf32, #tpu.memory_space<hbm>> -> memref<1563x64xf32, #tpu.memory_space<hbm>>
    tpu.wait_indirect_dma semaphore(%arg22 : memref<!tpu.dma_semaphore, #tpu.memory_space<semaphore_mem>>) src(%dma_wait3A_165 : memref<1563x64xf32, #tpu.memory_space<hbm>>) dst(%dma_wait3A_159 : memref<128x64xf32, #tpu.memory_space<vmem>>)
    %scan3A_166 = arith.constant 0 : i32
    %scan3A_167 = arith.constant 0 : i32
    %scan3A_168 = arith.constant 8 : i32
    %scan3A_169 = arith.addi %scan3A_167, %scan3A_168 : i32
    %scan3A_170 = arith.constant 1 : i32
    scf.for %scan3A_215 = %scan3A_167 to %scan3A_169 step %scan3A_170  : i32 {
      %add3A_216 = arith.constant 16 : i32
      %add3A_217 = arith.addi %add3A_216, %scan3A_215 : i32
      %mul3A_218 = arith.constant 16 : i32
      %mul3A_219 = arith.muli %add3A_217, %mul3A_218 : i32
      %get3A = arith.index_cast %mul3A_219 : i32 to index
      %get3A_220 = tpu.vector_load %arg11[%get3A] {strides = array<i32>} : memref<512xf32, #tpu.memory_space<vmem>>, vector<16xf32>,
      %mul3A_221 = arith.constant 16 : i32
      %mul3A_222 = arith.muli %scan3A_215, %mul3A_221 : i32
      %get3A_223 = arith.constant 2 : i32
      %get3A_224 = arith.index_cast %get3A_223 : i32 to index
      %get3A_225 = arith.index_cast %mul3A_222 : i32 to index
      %get3A_226 = tpu.vector_load %arg13[%get3A_224, %get3A_225] {strides = array<i32>} : memref<4x128xi32, #tpu.memory_space<vmem>>, vector<16xi32>,
      %iota3A = tpu.iota {dimensions = array<i32: 0>} : vector<16xi32>
      %mul3A_227 = arith.constant 16 : i32
      %mul3A_228 = arith.muli %add3A_217, %mul3A_227 : i32
      %add3A_229 = vector.broadcast %mul3A_228 : i32 to vector<16xi32>
      %add3A_230 = arith.addi %iota3A, %add3A_229 : vector<16xi32>
      %broadcast_in_dim3A_231 = arith.constant 0 : i32
      %broadcast_in_dim3A_232 = vector.broadcast %broadcast_in_dim3A_231 : i32 to vector<16xi32>
      %add3A_233 = arith.constant 31 : i32
      %add3A_234 = vector.broadcast %add3A_233 : i32 to vector<16xi32>
      %add3A_235 = arith.addi %broadcast_in_dim3A_232, %add3A_234 : vector<16xi32>
      %gather3A = tpu.vector_load_idx %arg10[%add3A_230, %add3A_235] : memref<512x64xf32, #tpu.memory_space<vmem>>[vector<16xi32>, vector<16xi32>], vector<16xf32>,
      %lt3A = arith.cmpf olt, %gather3A, %get3A_220 : vector<16xf32>
      %add3A_236 = arith.constant 32 : i32
      %add3A_237 = vector.broadcast %add3A_236 : i32 to vector<16xi32>
      %add3A_238 = arith.addi %broadcast_in_dim3A_232, %add3A_237 : vector<16xi32>
      %select_n3A = arith.select %lt3A, %add3A_238, %broadcast_in_dim3A_232 : vector<16xi1>, vector<16xi32>
      %add3A_239 = arith.constant 15 : i32
      %add3A_240 = vector.broadcast %add3A_239 : i32 to vector<16xi32>
      %add3A_241 = arith.addi %select_n3A, %add3A_240 : vector<16xi32>
      %gather3A_242 = tpu.vector_load_idx %arg10[%add3A_230, %add3A_241] : memref<512x64xf32, #tpu.memory_space<vmem>>[vector<16xi32>, vector<16xi32>], vector<16xf32>,
      %lt3A_243 = arith.cmpf olt, %gather3A_242, %get3A_220 : vector<16xf32>
      %add3A_244 = arith.constant 16 : i32
      %add3A_245 = vector.broadcast %add3A_244 : i32 to vector<16xi32>
      %add3A_246 = arith.addi %select_n3A, %add3A_245 : vector<16xi32>
      %select_n3A_247 = arith.select %lt3A_243, %add3A_246, %select_n3A : vector<16xi1>, vector<16xi32>
      %add3A_248 = arith.constant 7 : i32
      %add3A_249 = vector.broadcast %add3A_248 : i32 to vector<16xi32>
      %add3A_250 = arith.addi %select_n3A_247, %add3A_249 : vector<16xi32>
      %gather3A_251 = tpu.vector_load_idx %arg10[%add3A_230, %add3A_250] : memref<512x64xf32, #tpu.memory_space<vmem>>[vector<16xi32>, vector<16xi32>], vector<16xf32>,
      %lt3A_252 = arith.cmpf olt, %gather3A_251, %get3A_220 : vector<16xf32>
      %add3A_253 = arith.constant 8 : i32
      %add3A_254 = vector.broadcast %add3A_253 : i32 to vector<16xi32>
      %add3A_255 = arith.addi %select_n3A_247, %add3A_254 : vector<16xi32>
      %select_n3A_256 = arith.select %lt3A_252, %add3A_255, %select_n3A_247 : vector<16xi1>, vector<16xi32>
      %add3A_257 = arith.constant 3 : i32
      %add3A_258 = vector.broadcast %add3A_257 : i32 to vector<16xi32>
      %add3A_259 = arith.addi %select_n3A_256, %add3A_258 : vector<16xi32>
      %gather3A_260 = tpu.vector_load_idx %arg10[%add3A_230, %add3A_259] : memref<512x64xf32, #tpu.memory_space<vmem>>[vector<16xi32>, vector<16xi32>], vector<16xf32>,
      %lt3A_261 = arith.cmpf olt, %gather3A_260, %get3A_220 : vector<16xf32>
      %add3A_262 = arith.constant 4 : i32
      %add3A_263 = vector.broadcast %add3A_262 : i32 to vector<16xi32>
      %add3A_264 = arith.addi %select_n3A_256, %add3A_263 : vector<16xi32>
      %select_n3A_265 = arith.select %lt3A_261, %add3A_264, %select_n3A_256 : vector<16xi1>, vector<16xi32>
      %add3A_266 = arith.constant 1 : i32
      %add3A_267 = vector.broadcast %add3A_266 : i32 to vector<16xi32>
      %add3A_268 = arith.addi %select_n3A_265, %add3A_267 : vector<16xi32>
      %gather3A_269 = tpu.vector_load_idx %arg10[%add3A_230, %add3A_268] : memref<512x64xf32, #tpu.memory_space<vmem>>[vector<16xi32>, vector<16xi32>], vector<16xf32>,
      %lt3A_270 = arith.cmpf olt, %gather3A_269, %get3A_220 : vector<16xf32>
      %add3A_271 = arith.constant 2 : i32
      %add3A_272 = vector.broadcast %add3A_271 : i32 to vector<16xi32>
      %add3A_273 = arith.addi %select_n3A_265, %add3A_272 : vector<16xi32>
      %select_n3A_274 = arith.select %lt3A_270, %add3A_273, %select_n3A_265 : vector<16xi1>, vector<16xi32>
      %add3A_275 = arith.constant 0 : i32
      %add3A_276 = vector.broadcast %add3A_275 : i32 to vector<16xi32>
      %add3A_277 = arith.addi %select_n3A_274, %add3A_276 : vector<16xi32>
      %gather3A_278 = tpu.vector_load_idx %arg10[%add3A_230, %add3A_277] : memref<512x64xf32, #tpu.memory_space<vmem>>[vector<16xi32>, vector<16xi32>], vector<16xf32>,
      %lt3A_279 = arith.cmpf olt, %gather3A_278, %get3A_220 : vector<16xf32>
      %add3A_280 = arith.constant 1 : i32
      %add3A_281 = vector.broadcast %add3A_280 : i32 to vector<16xi32>
      %add3A_282 = arith.addi %select_n3A_274, %add3A_281 : vector<16xi32>
      %select_n3A_283 = arith.select %lt3A_279, %add3A_282, %select_n3A_274 : vector<16xi1>, vector<16xi32>
      %mul3A_284 = arith.constant 64 : i32
      %mul3A_285 = vector.broadcast %mul3A_284 : i32 to vector<16xi32>
      %mul3A_286 = arith.muli %get3A_226, %mul3A_285 : vector<16xi32>
      %add3A_287 = arith.addi %mul3A_286, %select_n3A_283 : vector<16xi32>
      %mul3A_288 = arith.constant 16 : i32
      %mul3A_289 = arith.muli %add3A_217, %mul3A_288 : i32
      %swap3A_290 = arith.index_cast %mul3A_289 : i32 to index
      %swap3A_291 = tpu.vector_load %arg12[%swap3A_290] {strides = array<i32>} : memref<512xi32, #tpu.memory_space<vmem>>, vector<16xi32>,
      tpu.vector_store %arg12[%swap3A_290], %add3A_287 {strides = array<i32>} : memref<512xi32, #tpu.memory_space<vmem>>, vector<16xi32>,
      %mul3A_292 = arith.constant 16 : i32
      %mul3A_293 = arith.muli %scan3A_215, %mul3A_292 : i32
      %swap3A_294 = arith.constant 2 : i32
      %swap3A_295 = arith.index_cast %swap3A_294 : i32 to index
      %swap3A_296 = arith.index_cast %mul3A_293 : i32 to index
      %swap3A_297 = tpu.vector_load %arg14[%swap3A_295, %swap3A_296] {strides = array<i32>} : memref<4x128xi32, #tpu.memory_space<vmem>>, vector<16xi32>,
      tpu.vector_store %arg14[%swap3A_295, %swap3A_296], %add3A_287 {strides = array<i32>} : memref<4x128xi32, #tpu.memory_space<vmem>>, vector<16xi32>,
    }
    %scan3A_171 = arith.constant 8 : i32
    %dma_start3A_172 = arith.constant 2 : i32
    %dma_start3A_173 = arith.constant 0 : i32
    %dma_start3A_174 = tpu.memref_slice %arg14[%dma_start3A_172, %dma_start3A_173] : memref<4x128xi32, #tpu.memory_space<vmem>> -> memref<1x128xi32, #tpu.memory_space<vmem>>
    %dma_start3A_175 = tpu.memref_squeeze %dma_start3A_174 : memref<1x128xi32, #tpu.memory_space<vmem>> -> memref<128xi32, #tpu.memory_space<vmem>>
    %dma_start3A_176 = arith.constant 0 : i32
    %dma_start3A_177 = tpu.memref_slice %arg18[%dma_start3A_176] : memref<100000xi32, #tpu.memory_space<vmem_shared>> -> memref<100000xi32, #tpu.memory_space<vmem_shared>>
    tpu.enqueue_indirect_dma source(%arg17 : memref<128xi32, #tpu.memory_space<vmem>>) target(%dma_start3A_177 : memref<100000xi32, #tpu.memory_space<vmem_shared>>) offsets(%dma_start3A_175 : memref<128xi32, #tpu.memory_space<vmem>>) semaphore(%arg23 : memref<!tpu.dma_semaphore, #tpu.memory_space<semaphore_mem>>) {add = true}
    %dma_wait3A_178 = arith.constant 3 : i32
    %dma_wait3A_179 = arith.constant 384 : i32
    %dma_wait3A_180 = arith.constant 0 : i32
    %dma_wait3A_181 = tpu.memref_slice %arg10[%dma_wait3A_179, %dma_wait3A_180] : memref<512x64xf32, #tpu.memory_space<vmem>> -> memref<128x64xf32, #tpu.memory_space<vmem>>
    %dma_wait3A_182 = arith.constant 0 : i32
    %dma_wait3A_183 = tpu.memref_slice %arg13[%dma_wait3A_178, %dma_wait3A_182] : memref<4x128xi32, #tpu.memory_space<vmem>> -> memref<1x128xi32, #tpu.memory_space<vmem>>
    %dma_wait3A_184 = tpu.memref_squeeze %dma_wait3A_183 : memref<1x128xi32, #tpu.memory_space<vmem>> -> memref<128xi32, #tpu.memory_space<vmem>>
    %dma_wait3A_185 = arith.constant 0 : i32
    %dma_wait3A_186 = arith.constant 0 : i32
    %dma_wait3A_187 = tpu.memref_slice %arg2[%dma_wait3A_185, %dma_wait3A_186] : memref<1563x64xf32, #tpu.memory_space<hbm>> -> memref<1563x64xf32, #tpu.memory_space<hbm>>
    tpu.wait_indirect_dma semaphore(%arg22 : memref<!tpu.dma_semaphore, #tpu.memory_space<semaphore_mem>>) src(%dma_wait3A_187 : memref<1563x64xf32, #tpu.memory_space<hbm>>) dst(%dma_wait3A_181 : memref<128x64xf32, #tpu.memory_space<vmem>>)
    %scan3A_188 = arith.constant 0 : i32
    %scan3A_189 = arith.constant 0 : i32
    %scan3A_190 = arith.constant 8 : i32
    %scan3A_191 = arith.addi %scan3A_189, %scan3A_190 : i32
    %scan3A_192 = arith.constant 1 : i32
    scf.for %scan3A_215 = %scan3A_189 to %scan3A_191 step %scan3A_192  : i32 {
      %add3A_216 = arith.constant 24 : i32
      %add3A_217 = arith.addi %add3A_216, %scan3A_215 : i32
      %mul3A_218 = arith.constant 16 : i32
      %mul3A_219 = arith.muli %add3A_217, %mul3A_218 : i32
      %get3A = arith.index_cast %mul3A_219 : i32 to index
      %get3A_220 = tpu.vector_load %arg11[%get3A] {strides = array<i32>} : memref<512xf32, #tpu.memory_space<vmem>>, vector<16xf32>,
      %mul3A_221 = arith.constant 16 : i32
      %mul3A_222 = arith.muli %scan3A_215, %mul3A_221 : i32
      %get3A_223 = arith.constant 3 : i32
      %get3A_224 = arith.index_cast %get3A_223 : i32 to index
      %get3A_225 = arith.index_cast %mul3A_222 : i32 to index
      %get3A_226 = tpu.vector_load %arg13[%get3A_224, %get3A_225] {strides = array<i32>} : memref<4x128xi32, #tpu.memory_space<vmem>>, vector<16xi32>,
      %iota3A = tpu.iota {dimensions = array<i32: 0>} : vector<16xi32>
      %mul3A_227 = arith.constant 16 : i32
      %mul3A_228 = arith.muli %add3A_217, %mul3A_227 : i32
      %add3A_229 = vector.broadcast %mul3A_228 : i32 to vector<16xi32>
      %add3A_230 = arith.addi %iota3A, %add3A_229 : vector<16xi32>
      %broadcast_in_dim3A_231 = arith.constant 0 : i32
      %broadcast_in_dim3A_232 = vector.broadcast %broadcast_in_dim3A_231 : i32 to vector<16xi32>
      %add3A_233 = arith.constant 31 : i32
      %add3A_234 = vector.broadcast %add3A_233 : i32 to vector<16xi32>
      %add3A_235 = arith.addi %broadcast_in_dim3A_232, %add3A_234 : vector<16xi32>
      %gather3A = tpu.vector_load_idx %arg10[%add3A_230, %add3A_235] : memref<512x64xf32, #tpu.memory_space<vmem>>[vector<16xi32>, vector<16xi32>], vector<16xf32>,
      %lt3A = arith.cmpf olt, %gather3A, %get3A_220 : vector<16xf32>
      %add3A_236 = arith.constant 32 : i32
      %add3A_237 = vector.broadcast %add3A_236 : i32 to vector<16xi32>
      %add3A_238 = arith.addi %broadcast_in_dim3A_232, %add3A_237 : vector<16xi32>
      %select_n3A = arith.select %lt3A, %add3A_238, %broadcast_in_dim3A_232 : vector<16xi1>, vector<16xi32>
      %add3A_239 = arith.constant 15 : i32
      %add3A_240 = vector.broadcast %add3A_239 : i32 to vector<16xi32>
      %add3A_241 = arith.addi %select_n3A, %add3A_240 : vector<16xi32>
      %gather3A_242 = tpu.vector_load_idx %arg10[%add3A_230, %add3A_241] : memref<512x64xf32, #tpu.memory_space<vmem>>[vector<16xi32>, vector<16xi32>], vector<16xf32>,
      %lt3A_243 = arith.cmpf olt, %gather3A_242, %get3A_220 : vector<16xf32>
      %add3A_244 = arith.constant 16 : i32
      %add3A_245 = vector.broadcast %add3A_244 : i32 to vector<16xi32>
      %add3A_246 = arith.addi %select_n3A, %add3A_245 : vector<16xi32>
      %select_n3A_247 = arith.select %lt3A_243, %add3A_246, %select_n3A : vector<16xi1>, vector<16xi32>
      %add3A_248 = arith.constant 7 : i32
      %add3A_249 = vector.broadcast %add3A_248 : i32 to vector<16xi32>
      %add3A_250 = arith.addi %select_n3A_247, %add3A_249 : vector<16xi32>
      %gather3A_251 = tpu.vector_load_idx %arg10[%add3A_230, %add3A_250] : memref<512x64xf32, #tpu.memory_space<vmem>>[vector<16xi32>, vector<16xi32>], vector<16xf32>,
      %lt3A_252 = arith.cmpf olt, %gather3A_251, %get3A_220 : vector<16xf32>
      %add3A_253 = arith.constant 8 : i32
      %add3A_254 = vector.broadcast %add3A_253 : i32 to vector<16xi32>
      %add3A_255 = arith.addi %select_n3A_247, %add3A_254 : vector<16xi32>
      %select_n3A_256 = arith.select %lt3A_252, %add3A_255, %select_n3A_247 : vector<16xi1>, vector<16xi32>
      %add3A_257 = arith.constant 3 : i32
      %add3A_258 = vector.broadcast %add3A_257 : i32 to vector<16xi32>
      %add3A_259 = arith.addi %select_n3A_256, %add3A_258 : vector<16xi32>
      %gather3A_260 = tpu.vector_load_idx %arg10[%add3A_230, %add3A_259] : memref<512x64xf32, #tpu.memory_space<vmem>>[vector<16xi32>, vector<16xi32>], vector<16xf32>,
      %lt3A_261 = arith.cmpf olt, %gather3A_260, %get3A_220 : vector<16xf32>
      %add3A_262 = arith.constant 4 : i32
      %add3A_263 = vector.broadcast %add3A_262 : i32 to vector<16xi32>
      %add3A_264 = arith.addi %select_n3A_256, %add3A_263 : vector<16xi32>
      %select_n3A_265 = arith.select %lt3A_261, %add3A_264, %select_n3A_256 : vector<16xi1>, vector<16xi32>
      %add3A_266 = arith.constant 1 : i32
      %add3A_267 = vector.broadcast %add3A_266 : i32 to vector<16xi32>
      %add3A_268 = arith.addi %select_n3A_265, %add3A_267 : vector<16xi32>
      %gather3A_269 = tpu.vector_load_idx %arg10[%add3A_230, %add3A_268] : memref<512x64xf32, #tpu.memory_space<vmem>>[vector<16xi32>, vector<16xi32>], vector<16xf32>,
      %lt3A_270 = arith.cmpf olt, %gather3A_269, %get3A_220 : vector<16xf32>
      %add3A_271 = arith.constant 2 : i32
      %add3A_272 = vector.broadcast %add3A_271 : i32 to vector<16xi32>
      %add3A_273 = arith.addi %select_n3A_265, %add3A_272 : vector<16xi32>
      %select_n3A_274 = arith.select %lt3A_270, %add3A_273, %select_n3A_265 : vector<16xi1>, vector<16xi32>
      %add3A_275 = arith.constant 0 : i32
      %add3A_276 = vector.broadcast %add3A_275 : i32 to vector<16xi32>
      %add3A_277 = arith.addi %select_n3A_274, %add3A_276 : vector<16xi32>
      %gather3A_278 = tpu.vector_load_idx %arg10[%add3A_230, %add3A_277] : memref<512x64xf32, #tpu.memory_space<vmem>>[vector<16xi32>, vector<16xi32>], vector<16xf32>,
      %lt3A_279 = arith.cmpf olt, %gather3A_278, %get3A_220 : vector<16xf32>
      %add3A_280 = arith.constant 1 : i32
      %add3A_281 = vector.broadcast %add3A_280 : i32 to vector<16xi32>
      %add3A_282 = arith.addi %select_n3A_274, %add3A_281 : vector<16xi32>
      %select_n3A_283 = arith.select %lt3A_279, %add3A_282, %select_n3A_274 : vector<16xi1>, vector<16xi32>
      %mul3A_284 = arith.constant 64 : i32
      %mul3A_285 = vector.broadcast %mul3A_284 : i32 to vector<16xi32>
      %mul3A_286 = arith.muli %get3A_226, %mul3A_285 : vector<16xi32>
      %add3A_287 = arith.addi %mul3A_286, %select_n3A_283 : vector<16xi32>
      %mul3A_288 = arith.constant 16 : i32
      %mul3A_289 = arith.muli %add3A_217, %mul3A_288 : i32
      %swap3A_290 = arith.index_cast %mul3A_289 : i32 to index
      %swap3A_291 = tpu.vector_load %arg12[%swap3A_290] {strides = array<i32>} : memref<512xi32, #tpu.memory_space<vmem>>, vector<16xi32>,
      tpu.vector_store %arg12[%swap3A_290], %add3A_287 {strides = array<i32>} : memref<512xi32, #tpu.memory_space<vmem>>, vector<16xi32>,
      %mul3A_292 = arith.constant 16 : i32
      %mul3A_293 = arith.muli %scan3A_215, %mul3A_292 : i32
      %swap3A_294 = arith.constant 3 : i32
      %swap3A_295 = arith.index_cast %swap3A_294 : i32 to index
      %swap3A_296 = arith.index_cast %mul3A_293 : i32 to index
      %swap3A_297 = tpu.vector_load %arg14[%swap3A_295, %swap3A_296] {strides = array<i32>} : memref<4x128xi32, #tpu.memory_space<vmem>>, vector<16xi32>,
      tpu.vector_store %arg14[%swap3A_295, %swap3A_296], %add3A_287 {strides = array<i32>} : memref<4x128xi32, #tpu.memory_space<vmem>>, vector<16xi32>,
    }
    %scan3A_193 = arith.constant 8 : i32
    %dma_start3A_194 = arith.constant 3 : i32
    %dma_start3A_195 = arith.constant 0 : i32
    %dma_start3A_196 = tpu.memref_slice %arg14[%dma_start3A_194, %dma_start3A_195] : memref<4x128xi32, #tpu.memory_space<vmem>> -> memref<1x128xi32, #tpu.memory_space<vmem>>
    %dma_start3A_197 = tpu.memref_squeeze %dma_start3A_196 : memref<1x128xi32, #tpu.memory_space<vmem>> -> memref<128xi32, #tpu.memory_space<vmem>>
    %dma_start3A_198 = arith.constant 0 : i32
    %dma_start3A_199 = tpu.memref_slice %arg18[%dma_start3A_198] : memref<100000xi32, #tpu.memory_space<vmem_shared>> -> memref<100000xi32, #tpu.memory_space<vmem_shared>>
    tpu.enqueue_indirect_dma source(%arg17 : memref<128xi32, #tpu.memory_space<vmem>>) target(%dma_start3A_199 : memref<100000xi32, #tpu.memory_space<vmem_shared>>) offsets(%dma_start3A_197 : memref<128xi32, #tpu.memory_space<vmem>>) semaphore(%arg23 : memref<!tpu.dma_semaphore, #tpu.memory_space<semaphore_mem>>) {add = true}
    "tpu.region"() ({
      %run_scoped3A = tpu.sem_alloc : memref<!tpu.dma_semaphore, #tpu.memory_space<semaphore_mem>>
      %dma_start3A_215 = tpu.memref_slice %arg6[%mul3A_2] : memref<16384xi32, #tpu.memory_space<hbm>> -> memref<512xi32, #tpu.memory_space<hbm>>
      %dma_start3A_216 = tpu.memref_slice %arg6[%mul3A_2] : memref<16384xi32, #tpu.memory_space<hbm>> -> memref<512xi32, #tpu.memory_space<hbm>>
      tpu.enqueue_dma source(%arg12 : memref<512xi32, #tpu.memory_space<vmem>>) target(%dma_start3A_216 : memref<512xi32, #tpu.memory_space<hbm>>) target_semaphore(%run_scoped3A : memref<!tpu.dma_semaphore, #tpu.memory_space<semaphore_mem>>)
      %dma_wait3A_217 = tpu.memref_slice %arg6[%mul3A_2] : memref<16384xi32, #tpu.memory_space<hbm>> -> memref<512xi32, #tpu.memory_space<hbm>>
      %dma_wait3A_218 = tpu.memref_slice %arg6[%mul3A_2] : memref<16384xi32, #tpu.memory_space<hbm>> -> memref<512xi32, #tpu.memory_space<hbm>>
      tpu.wait_dma2 semaphore(%run_scoped3A : memref<!tpu.dma_semaphore, #tpu.memory_space<semaphore_mem>>) src(%arg12 : memref<512xi32, #tpu.memory_space<vmem>>) dst(%dma_wait3A_218 : memref<512xi32, #tpu.memory_space<hbm>>)
      tpu.yield
    }) : () -> ()
    %dma_wait3A_200 = arith.constant 0 : i32
    %dma_wait3A_201 = tpu.memref_slice %arg5[%dma_wait3A_200] : memref<100000xi32, #tpu.memory_space<hbm>> -> memref<512xi32, #tpu.memory_space<hbm>>
    %dma_wait3A_202 = arith.constant 0 : i32
    %dma_wait3A_203 = tpu.memref_slice %arg5[%dma_wait3A_202] : memref<100000xi32, #tpu.memory_space<hbm>> -> memref<512xi32, #tpu.memory_space<hbm>>
    tpu.wait_dma2 semaphore(%arg23 : memref<!tpu.dma_semaphore, #tpu.memory_space<semaphore_mem>>) src(%dma_wait3A_203 : memref<512xi32, #tpu.memory_space<hbm>>) dst(%arg12 : memref<512xi32, #tpu.memory_space<vmem>>)
    %barrier3A_204 = arith.constant 0 : index
    tpu.barrier barrier_id(%barrier3A_204)
    "tpu.region"() ({
      %run_scoped3A = tpu.sem_alloc : memref<!tpu.dma_semaphore, #tpu.memory_space<semaphore_mem>>
      %dma_start3A_215 = tpu.memref_slice %arg18[%mul3A_4] : memref<100000xi32, #tpu.memory_space<vmem_shared>> -> memref<6240xi32, #tpu.memory_space<vmem_shared>>
      %dma_start3A_216 = tpu.memref_slice %arg18[%mul3A_4] : memref<100000xi32, #tpu.memory_space<vmem_shared>> -> memref<6240xi32, #tpu.memory_space<vmem_shared>>
      tpu.enqueue_dma source(%dma_start3A_216 : memref<6240xi32, #tpu.memory_space<vmem_shared>>) target(%arg15 : memref<6240xi32, #tpu.memory_space<vmem>>) target_semaphore(%run_scoped3A : memref<!tpu.dma_semaphore, #tpu.memory_space<semaphore_mem>>)
      %dma_wait3A_217 = tpu.memref_slice %arg18[%mul3A_4] : memref<100000xi32, #tpu.memory_space<vmem_shared>> -> memref<6240xi32, #tpu.memory_space<vmem_shared>>
      %dma_wait3A_218 = tpu.memref_slice %arg18[%mul3A_4] : memref<100000xi32, #tpu.memory_space<vmem_shared>> -> memref<6240xi32, #tpu.memory_space<vmem_shared>>
      tpu.wait_dma2 semaphore(%run_scoped3A : memref<!tpu.dma_semaphore, #tpu.memory_space<semaphore_mem>>) src(%dma_wait3A_218 : memref<6240xi32, #tpu.memory_space<vmem_shared>>) dst(%arg15 : memref<6240xi32, #tpu.memory_space<vmem>>)
      tpu.yield
    }) : () -> ()
    %eq3A_205 = arith.constant 0 : i32
    %eq3A_206 = arith.cmpi eq, %arg0, %eq3A_205 : i32
    %convert_element_type3A_207 = arith.extui %eq3A_206 : i1 to i32
    %cond3A_208 = arith.constant 0 : i32
    %cond3A_209 = arith.cmpi ne, %convert_element_type3A_207, %cond3A_208 : i32
    scf.if %cond3A_209 {
      "tpu.region"() ({
        %run_scoped3A = tpu.sem_alloc : memref<!tpu.dma_semaphore, #tpu.memory_space<semaphore_mem>>
        %dma_start3A_220 = tpu.memref_slice %arg7[%mul3A_4] : memref<100000xi32, #tpu.memory_space<hbm>> -> memref<6240xi32, #tpu.memory_space<hbm>>
        %dma_start3A_221 = tpu.memref_slice %arg7[%mul3A_4] : memref<100000xi32, #tpu.memory_space<hbm>> -> memref<6240xi32, #tpu.memory_space<hbm>>
        tpu.enqueue_dma source(%arg15 : memref<6240xi32, #tpu.memory_space<vmem>>) target(%dma_start3A_221 : memref<6240xi32, #tpu.memory_space<hbm>>) target_semaphore(%run_scoped3A : memref<!tpu.dma_semaphore, #tpu.memory_space<semaphore_mem>>)
        %dma_wait3A_222 = tpu.memref_slice %arg7[%mul3A_4] : memref<100000xi32, #tpu.memory_space<hbm>> -> memref<6240xi32, #tpu.memory_space<hbm>>
        %dma_wait3A_223 = tpu.memref_slice %arg7[%mul3A_4] : memref<100000xi32, #tpu.memory_space<hbm>> -> memref<6240xi32, #tpu.memory_space<hbm>>
        tpu.wait_dma2 semaphore(%run_scoped3A : memref<!tpu.dma_semaphore, #tpu.memory_space<semaphore_mem>>) src(%arg15 : memref<6240xi32, #tpu.memory_space<vmem>>) dst(%dma_wait3A_223 : memref<6240xi32, #tpu.memory_space<hbm>>)
        tpu.yield
      }) : () -> ()
      %eq3A_215 = arith.constant 0 : i32
      %eq3A_216 = arith.cmpi eq, %arg1, %eq3A_215 : i32
      %convert_element_type3A_217 = arith.extui %eq3A_216 : i1 to i32
      %cond3A_218 = arith.constant 0 : i32
      %cond3A_219 = arith.cmpi ne, %convert_element_type3A_217, %cond3A_218 : i32
      scf.if %cond3A_219 {
        "tpu.region"() ({
          %run_scoped3A = tpu.sem_alloc : memref<!tpu.dma_semaphore, #tpu.memory_space<semaphore_mem>>
          %dma_start3A_220 = arith.constant 99840 : i32
          %dma_start3A_221 = tpu.memref_slice %arg18[%dma_start3A_220] : memref<100000xi32, #tpu.memory_space<vmem_shared>> -> memref<160xi32, #tpu.memory_space<vmem_shared>>
          %dma_start3A_222 = arith.constant 99840 : i32
          %dma_start3A_223 = tpu.memref_slice %arg18[%dma_start3A_222] : memref<100000xi32, #tpu.memory_space<vmem_shared>> -> memref<160xi32, #tpu.memory_space<vmem_shared>>
          tpu.enqueue_dma source(%dma_start3A_223 : memref<160xi32, #tpu.memory_space<vmem_shared>>) target(%arg16 : memref<160xi32, #tpu.memory_space<vmem>>) target_semaphore(%run_scoped3A : memref<!tpu.dma_semaphore, #tpu.memory_space<semaphore_mem>>)
          %dma_wait3A_224 = arith.constant 99840 : i32
          %dma_wait3A_225 = tpu.memref_slice %arg18[%dma_wait3A_224] : memref<100000xi32, #tpu.memory_space<vmem_shared>> -> memref<160xi32, #tpu.memory_space<vmem_shared>>
          %dma_wait3A_226 = arith.constant 99840 : i32
          %dma_wait3A_227 = tpu.memref_slice %arg18[%dma_wait3A_226] : memref<100000xi32, #tpu.memory_space<vmem_shared>> -> memref<160xi32, #tpu.memory_space<vmem_shared>>
          tpu.wait_dma2 semaphore(%run_scoped3A : memref<!tpu.dma_semaphore, #tpu.memory_space<semaphore_mem>>) src(%dma_wait3A_227 : memref<160xi32, #tpu.memory_space<vmem_shared>>) dst(%arg16 : memref<160xi32, #tpu.memory_space<vmem>>)
          tpu.yield
        }) : () -> ()
        "tpu.region"() ({
          %run_scoped3A = tpu.sem_alloc : memref<!tpu.dma_semaphore, #tpu.memory_space<semaphore_mem>>
          %dma_start3A_220 = arith.constant 99840 : i32
          %dma_start3A_221 = tpu.memref_slice %arg7[%dma_start3A_220] : memref<100000xi32, #tpu.memory_space<hbm>> -> memref<160xi32, #tpu.memory_space<hbm>>
          %dma_start3A_222 = arith.constant 99840 : i32
          %dma_start3A_223 = tpu.memref_slice %arg7[%dma_start3A_222] : memref<100000xi32, #tpu.memory_space<hbm>> -> memref<160xi32, #tpu.memory_space<hbm>>
          tpu.enqueue_dma source(%arg16 : memref<160xi32, #tpu.memory_space<vmem>>) target(%dma_start3A_223 : memref<160xi32, #tpu.memory_space<hbm>>) target_semaphore(%run_scoped3A : memref<!tpu.dma_semaphore, #tpu.memory_space<semaphore_mem>>)
          %dma_wait3A_224 = arith.constant 99840 : i32
          %dma_wait3A_225 = tpu.memref_slice %arg7[%dma_wait3A_224] : memref<100000xi32, #tpu.memory_space<hbm>> -> memref<160xi32, #tpu.memory_space<hbm>>
          %dma_wait3A_226 = arith.constant 99840 : i32
          %dma_wait3A_227 = tpu.memref_slice %arg7[%dma_wait3A_226] : memref<100000xi32, #tpu.memory_space<hbm>> -> memref<160xi32, #tpu.memory_space<hbm>>
          tpu.wait_dma2 semaphore(%run_scoped3A : memref<!tpu.dma_semaphore, #tpu.memory_space<semaphore_mem>>) src(%arg16 : memref<160xi32, #tpu.memory_space<vmem>>) dst(%dma_wait3A_227 : memref<160xi32, #tpu.memory_space<hbm>>)
          tpu.yield
        }) : () -> ()
      } else {
      }
    } else {
    }
    %eq3A_210 = arith.constant 1 : i32
    %eq3A_211 = arith.cmpi eq, %arg0, %eq3A_210 : i32
    %convert_element_type3A_212 = arith.extui %eq3A_211 : i1 to i32
    %cond3A_213 = arith.constant 0 : i32
    %cond3A_214 = arith.cmpi ne, %convert_element_type3A_212, %cond3A_213 : i32
    scf.if %cond3A_214 {
      "tpu.region"() ({
        %run_scoped3A = tpu.sem_alloc : memref<!tpu.dma_semaphore, #tpu.memory_space<semaphore_mem>>
        %dma_start3A_220 = tpu.memref_slice %arg8[%mul3A_4] : memref<100000xi32, #tpu.memory_space<hbm>> -> memref<6240xi32, #tpu.memory_space<hbm>>
        %dma_start3A_221 = tpu.memref_slice %arg8[%mul3A_4] : memref<100000xi32, #tpu.memory_space<hbm>> -> memref<6240xi32, #tpu.memory_space<hbm>>
        tpu.enqueue_dma source(%arg15 : memref<6240xi32, #tpu.memory_space<vmem>>) target(%dma_start3A_221 : memref<6240xi32, #tpu.memory_space<hbm>>) target_semaphore(%run_scoped3A : memref<!tpu.dma_semaphore, #tpu.memory_space<semaphore_mem>>)
        %dma_wait3A_222 = tpu.memref_slice %arg8[%mul3A_4] : memref<100000xi32, #tpu.memory_space<hbm>> -> memref<6240xi32, #tpu.memory_space<hbm>>
        %dma_wait3A_223 = tpu.memref_slice %arg8[%mul3A_4] : memref<100000xi32, #tpu.memory_space<hbm>> -> memref<6240xi32, #tpu.memory_space<hbm>>
        tpu.wait_dma2 semaphore(%run_scoped3A : memref<!tpu.dma_semaphore, #tpu.memory_space<semaphore_mem>>) src(%arg15 : memref<6240xi32, #tpu.memory_space<vmem>>) dst(%dma_wait3A_223 : memref<6240xi32, #tpu.memory_space<hbm>>)
        tpu.yield
      }) : () -> ()
      %eq3A_215 = arith.constant 0 : i32
      %eq3A_216 = arith.cmpi eq, %arg1, %eq3A_215 : i32
      %convert_element_type3A_217 = arith.extui %eq3A_216 : i1 to i32
      %cond3A_218 = arith.constant 0 : i32
      %cond3A_219 = arith.cmpi ne, %convert_element_type3A_217, %cond3A_218 : i32
      scf.if %cond3A_219 {
        "tpu.region"() ({
          %run_scoped3A = tpu.sem_alloc : memref<!tpu.dma_semaphore, #tpu.memory_space<semaphore_mem>>
          %dma_start3A_220 = arith.constant 99840 : i32
          %dma_start3A_221 = tpu.memref_slice %arg18[%dma_start3A_220] : memref<100000xi32, #tpu.memory_space<vmem_shared>> -> memref<160xi32, #tpu.memory_space<vmem_shared>>
          %dma_start3A_222 = arith.constant 99840 : i32
          %dma_start3A_223 = tpu.memref_slice %arg18[%dma_start3A_222] : memref<100000xi32, #tpu.memory_space<vmem_shared>> -> memref<160xi32, #tpu.memory_space<vmem_shared>>
          tpu.enqueue_dma source(%dma_start3A_223 : memref<160xi32, #tpu.memory_space<vmem_shared>>) target(%arg16 : memref<160xi32, #tpu.memory_space<vmem>>) target_semaphore(%run_scoped3A : memref<!tpu.dma_semaphore, #tpu.memory_space<semaphore_mem>>)
          %dma_wait3A_224 = arith.constant 99840 : i32
          %dma_wait3A_225 = tpu.memref_slice %arg18[%dma_wait3A_224] : memref<100000xi32, #tpu.memory_space<vmem_shared>> -> memref<160xi32, #tpu.memory_space<vmem_shared>>
          %dma_wait3A_226 = arith.constant 99840 : i32
          %dma_wait3A_227 = tpu.memref_slice %arg18[%dma_wait3A_226] : memref<100000xi32, #tpu.memory_space<vmem_shared>> -> memref<160xi32, #tpu.memory_space<vmem_shared>>
          tpu.wait_dma2 semaphore(%run_scoped3A : memref<!tpu.dma_semaphore, #tpu.memory_space<semaphore_mem>>) src(%dma_wait3A_227 : memref<160xi32, #tpu.memory_space<vmem_shared>>) dst(%arg16 : memref<160xi32, #tpu.memory_space<vmem>>)
          tpu.yield
        }) : () -> ()
        "tpu.region"() ({
          %run_scoped3A = tpu.sem_alloc : memref<!tpu.dma_semaphore, #tpu.memory_space<semaphore_mem>>
          %dma_start3A_220 = arith.constant 99840 : i32
          %dma_start3A_221 = tpu.memref_slice %arg8[%dma_start3A_220] : memref<100000xi32, #tpu.memory_space<hbm>> -> memref<160xi32, #tpu.memory_space<hbm>>
          %dma_start3A_222 = arith.constant 99840 : i32
          %dma_start3A_223 = tpu.memref_slice %arg8[%dma_start3A_222] : memref<100000xi32, #tpu.memory_space<hbm>> -> memref<160xi32, #tpu.memory_space<hbm>>
          tpu.enqueue_dma source(%arg16 : memref<160xi32, #tpu.memory_space<vmem>>) target(%dma_start3A_223 : memref<160xi32, #tpu.memory_space<hbm>>) target_semaphore(%run_scoped3A : memref<!tpu.dma_semaphore, #tpu.memory_space<semaphore_mem>>)
          %dma_wait3A_224 = arith.constant 99840 : i32
          %dma_wait3A_225 = tpu.memref_slice %arg8[%dma_wait3A_224] : memref<100000xi32, #tpu.memory_space<hbm>> -> memref<160xi32, #tpu.memory_space<hbm>>
          %dma_wait3A_226 = arith.constant 99840 : i32
          %dma_wait3A_227 = tpu.memref_slice %arg8[%dma_wait3A_226] : memref<100000xi32, #tpu.memory_space<hbm>> -> memref<160xi32, #tpu.memory_space<hbm>>
          tpu.wait_dma2 semaphore(%run_scoped3A : memref<!tpu.dma_semaphore, #tpu.memory_space<semaphore_mem>>) src(%arg16 : memref<160xi32, #tpu.memory_space<vmem>>) dst(%dma_wait3A_227 : memref<160xi32, #tpu.memory_space<hbm>>)
          tpu.yield
        }) : () -> ()
      } else {
      }
    } else {
    }
    return
  }
}

</mosaic_0001>

<sc_bundles>
// kernel: kernel.5.cloned.1.call-start
scs
__scs_entry_jumppad:
0x0: {  	(pc) =	sbr.rel $0x88, $3  }
0x1: {  	(tag) =	ssettag $0x0;
	lr =	simm.s32 $0x1  }
0x2: {  	[smem:$0x3F9E] =	sst lr;
	_ =	strace $0xD0000000  }
0x3: {  	_ = 	snop  }
0x4: {  	_ = 	snop  }
0x5: {  	_ = 	snop  }
0x6: {  	_ = 	snop  }
0x7: {  	_ = 	snop  }
__scs_overlays_trampoline_lowered:
0x8: {  	[smem:$0x3FAD] =	sst s0  }
0x9: {  	[smem:$0x3FAE] =	sst s1  }
0xa: {  	[smem:$0x3FAF] =	sst s2  }
0xb: {  	[smem:$0x3FB0] =	sst s3  }
0xc: {  	[smem:$0x3FB1] =	sst s4  }
0xd: {  	[smem:$0x3FB2] =	sst s5  }
0xe: {  	[smem:$0x3FB3] =	sst s6  }
0xf: {  	[smem:$0x3FB4] =	sst s7  }
0x10: {  	[smem:$0x3FB5] =	sst s8  }
0x11: {  	[smem:$0x3FB6] =	sst s9;
	s0 =	simm.s32 @!p0 $0x0  }
0x12: {  	s1 =	sld [smem:$0x3F9C];
	s0 =	simm.s32 @p0 $0x1  }
0x13: {  	[smem:$0x3FB7] =	sst s0;
	s0 =	simm.s32 @!p1 $0x0  }
0x14: {  	s2 =	sld [smem:$0x3F9B];
	s0 =	simm.s32 @p1 $0x1  }
0x15: {  	[smem:$0x3FB8] =	sst s0;
	s0 =	simm.s32 @!p2 $0x0  }
0x16: {  	s3 =	sld [smem:$0x3FDB];
	s0 =	simm.s32 @p2 $0x1  }
0x17: {  	s4 =	simm.s32 $0x1BF5;
	[smem:$0x3FBA] =	sst s0  }
0x18: {  	s0 =	sld [smem:$0x3F9D];
	_ =	swait.ge [sflag:s4], $0x0  }
0x19: {  	s7 =	sld [smem:$0x3F9E]  }
0x1a: {  	s8 =	sadd.s32 $0xFFFFE003, lr  }
0x1b: {  	s9 =	sadd.s32 $0xFFFFFEF7, lr;
	s5 =	simm.s32 $0xFFFFFFFF;
	p2 =	slt.u32 s8, $0xFFFFF086  }
0x1c: {  	p1 =	slt.u32 s9, $0xF7A;
	s5 =	simm.s32 @!p2 $0x0  }
0x1d: {  	s5 =	simm.s32 @p1 $0x1;
	p0 =	seq.s32 s7, s2  }
0x1e: {  	s7 =	smul.u32 @!p0 $0xF7A, s2;
	p2 =	seq.s32 @!p0 s5, $0x0  }
0x1f: {  	s9 =	smul.u32 $0xF7A, s1;
	s8 =	simm.s32 @!p0 $0x1BF5;
	p2 =	por !p2, p0  }
0x20: {  	[sflag:s8] =	ssyncset.s32 @!p0 $0xFFFFF086;
	s6 =	sadd.s32 @!p0 s3, s7;
	s7 =	simm.s32 @!p0 $0x108  }
0x21: {  	s3 =	sadd.s32 s3, s9;
	s6 =	sadd.s32 @!p0 $0x88, s6;
	s7 =	simm.s32 @p2 $0x1082  }
0x22: {  	[simem:s7], [sflag:s8] =	dma.local @!p0 [hbm:s6], $0xF7A  }
0x23: {  	s9 =	sor.u32 $0xD0000000, s2;
	s6 =	simm.s32 $0x108;
	_ =	swait.ge @!p0 [sflag:s8], $0x0  }
0x24: {  	s3 =	sadd.s32 $0x88, s3;
	s6 =	simm.s32 @!p1 $0x1082;
	[sflag:s4] =	ssyncset.s32 $0xFFFFF086  }
0x25: {  	[simem:s6], [sflag:s4] =	dma.local [hbm:s3], $0xF7A  }
0x26: {  	[smem:$0x3F9E] =	sst s1;
	(tag) =	ssettag s2;
	_ =	strace s9  }
0x27: {  	s1 =	sld [smem:$0x3FAE]  }
0x28: {  	s2 =	sld [smem:$0x3FAF]  }
0x29: {  	s4 =	sld [smem:$0x3FB1]  }
0x2a: {  	p0 =	seq.s32 s5, $0x0;
	s5 =	sld [smem:$0x3FB2]  }
0x2b: {  	s6 =	sld [smem:$0x3FB3]  }
0x2c: {  	s7 =	sld [smem:$0x3FB4]  }
0x2d: {  	s3 =	simm.s32 $0x108;
	s8 =	sld [smem:$0x3FB5]  }
0x2e: {  	s3 =	simm.s32 @!p0 $0x1082;
	s9 =	sld [smem:$0x3FB6]  }
0x2f: {  	lr =	sadd.s32 s0, s3;
	s0 =	sld [smem:$0x3FAD]  }
0x30: {  	s3 =	sld [smem:$0x3FB0]  }
0x31: {  	[smem:$0x3FB9] =	sst s10  }
0x32: {  	s10 =	sld [smem:$0x3FB7];
	_ =	sdelay $0x3  }
0x33: {  	p0 =	seq.s32 s10, $0x1;
	s10 =	sld [smem:$0x3FB9];
	_ =	sdelay $0x3  }
0x34: {  	[smem:$0x3FB9] =	sst s10  }
0x35: {  	s10 =	sld [smem:$0x3FB8];
	_ =	sdelay $0x3  }
0x36: {  	p1 =	seq.s32 s10, $0x1;
	s10 =	sld [smem:$0x3FB9];
	_ =	sdelay $0x3  }
0x37: {  	[smem:$0x3FB9] =	sst s10  }
0x38: {  	s10 =	sld [smem:$0x3FBA]  }
0x39: {  	_ = 	snop;
	(pc) =	sbr.ind lr, $3  }
0x3a: {  	_ = 	snop  }
0x3b: {  	_ = 	snop  }
0x3c: {  	p2 =	seq.s32 s10, $0x1;
	s10 =	sld [smem:$0x3FB9]  }
0x3d: {  	_ =	shalt  }
0x3e: {  	_ =	shalt  }
0x3f: {  	_ =	shalt  }
0x40: {  	_ =	shalt  }
0x41: {  	_ =	shalt  }
0x42: {  	_ =	shalt  }
0x43: {  	_ =	shalt  }
0x44: {  	_ =	shalt  }
0x45: {  	_ =	shalt  }
0x46: {  	_ =	shalt  }
0x47: {  	_ =	shalt  }
0x48: {  	_ =	shalt  }
0x49: {  	_ =	shalt  }
0x4a: {  	_ =	shalt  }
0x4b: {  	_ =	shalt  }
0x4c: {  	_ =	shalt  }
0x4d: {  	_ =	shalt  }
0x4e: {  	_ =	shalt  }
0x4f: {  	_ =	shalt  }
0x50: {  	_ =	shalt  }
0x51: {  	_ =	shalt  }
0x52: {  	_ =	shalt  }
0x53: {  	_ =	shalt  }
0x54: {  	_ =	shalt  }
0x55: {  	_ =	shalt  }
0x56: {  	_ =	shalt  }
0x57: {  	_ =	shalt  }
0x58: {  	_ =	shalt  }
0x59: {  	_ =	shalt  }
0x5a: {  	_ =	shalt  }
0x5b: {  	_ =	shalt  }
0x5c: {  	_ =	shalt  }
0x5d: {  	_ =	shalt  }
0x5e: {  	_ =	shalt  }
0x5f: {  	_ =	shalt  }
0x60: {  	_ =	shalt  }
0x61: {  	_ =	shalt  }
0x62: {  	_ =	shalt  }
0x63: {  	_ =	shalt  }
0x64: {  	_ =	shalt  }
0x65: {  	_ =	shalt  }
0x66: {  	_ =	shalt  }
0x67: {  	_ =	shalt  }
0x68: {  	_ =	shalt  }
0x69: {  	_ =	shalt  }
0x6a: {  	_ =	shalt  }
0x6b: {  	_ =	shalt  }
0x6c: {  	_ =	shalt  }
0x6d: {  	_ =	shalt  }
0x6e: {  	_ =	shalt  }
0x6f: {  	_ =	shalt  }
0x70: {  	_ =	shalt  }
0x71: {  	_ =	shalt  }
0x72: {  	_ =	shalt  }
0x73: {  	_ =	shalt  }
0x74: {  	_ =	shalt  }
0x75: {  	_ =	shalt  }
0x76: {  	_ =	shalt  }
0x77: {  	_ =	shalt  }
0x78: {  	_ =	shalt  }
0x79: {  	_ =	shalt  }
0x7a: {  	_ =	shalt  }
0x7b: {  	_ =	shalt  }
0x7c: {  	_ =	shalt  }
0x7d: {  	_ =	shalt  }
0x7e: {  	_ =	shalt  }
0x7f: {  	_ =	shalt  }
0x80: {  	_ =	shalt  }
0x81: {  	_ =	shalt  }
0x82: {  	_ =	shalt  }
0x83: {  	_ =	shalt  }
0x84: {  	_ =	shalt  }
0x85: {  	_ =	shalt  }
0x86: {  	_ =	shalt  }
0x87: {  	_ =	shalt  }
.Lfunc_end0:
.L_simem_size_0:
called_computation_lowered:
.L_overlay_start_0:
0x88: {  	s2 =	sld [smem:$0x3FD9]  }
0x89: {  	s3 =	sld [smem:$0x3FFE];
	_ =	sdelay $0x1  }
0x8a: {  	s1 =	srdreg.scid  }
0x8b: {  	s0 =	sand.u32 $0x1, s1  }
0x8c: {  	s14 =	sshll.u32 s0, $0xA;
	s2 =	sadd.s32 s3, s2  }
0x8d: {  	s2 =	sadd.s32 s2, s14  }
0x8e: {  	[smem:$0x3FC5] =	sst s2  }
0x8f: {  	_ = 	snop  }
0x90: {  	s2 =	sld [smem:$0x3FD0];
	_ =	sdelay $0x2  }
0x91: {  	s4 =	simm.s32 $0xA;
	s5 =	simm.s32 $0x10;
	s15 =	sld [smem:$0x3FC8]  }
0x92: {  	[smem:s5], [sflag:s4] =	dma.local [hbm:s2], $0x1  }
0x93: {  	_ =	swait.eq [sflag:s4], $0x1  }
0x94: {  	[sflag:s4] =	ssyncset.done $0x0  }
0x95: {  	s16 =	sld [smem:$0x10];
	[sflag:s4] =	ssyncadd.s32 $0xFFFFFFFF  }
0x96: {  	s17 =	sld [smem:$0x11];
	(tm) =	ssettm $0x1  }
0x97: {  	s18 =	sld [smem:$0x3FFB];
	_ =	sdelay $0x3  }
0x98: {  	_ =	strace s18  }
0x99: {  	s5 =	sld [smem:$0x3FFC];
	_ =	sdelay $0x3  }
0x9a: {  	_ =	strace s5  }
0x9b: {  	s5 =	sld [smem:$0x3FFD];
	_ =	sdelay $0x3  }
0x9c: {  	_ =	strace s5  }
0x9d: {  	_ =	strace $0x8FFFFFFF  }
0x9e: {  	s19 =	sld [smem:$0x3FDB];
	_ =	sdelay $0x1  }
0x9f: {  	s6 =	simm.s32 $_scs_section_size  }
0xa0: {  	s7 =	simm.s32 $_size__tile_overlayer_lowered;
	s8 =	simm.s32 $_tile_overlayer_lowered  }
0xa1: {  	s22 =	simm.s32 $0x1BFF;
	s21 =	sshll.u32 s8, $0x1;
	s5 =	sadd.s32 s6, s19  }
0xa2: {  	s9 =	simm.s32 $0x0;
	s20 =	sshll.u32 s7, $0x1;
	s7 =	sadd.s32 s21, s5  }
0xa3: {  	[timem:s9], [sflag:s22] =	dma.local [hbm:s7], s20  }
0xa4: {  	_ =	swait.ge [sflag:s22], s20  }
0xa5: {  	s6 =	ssub.s32 $0x0, s20;
	[sflag:s22] =	ssyncset.done $0x0  }
0xa6: {  	[sflag:s22] =	ssyncadd.s32 s6;
	_ =	sdelay $0x1  }
0xa7: {  	s23 =	simm.s32 $0x1B8B  }
0xa8: {  	_ =	swait.ge [sflag:s23], $0x1  }
0xa9: {  	[sflag:s23] =	ssyncset.done $0x0  }
0xaa: {  	s25 =	simm.s32 $0x1B8E;
	s24 =	sld [smem:$0x3FFE];
	[sflag:s23] =	ssyncadd.s32 $0xFFFFFFFF  }
0xab: {  	s26 =	simm.s32 $execute0_lowered;
	[smem:$0x3FD2] =	sst s25  }
0xac: {  	s7 =	sshll.u32 s26, $0x1;
	_ =	strace $0x80000046;
	[dreg:$0x1] =	wrdreg $0xFFFFFFFF  }
0xad: {  	s28 =	simm.s32 $_size_execute0_lowered;
	s5 =	sadd.s32 s5, s7;
	[dreg:$0x0] =	wrdreg $0x0  }
0xae: {  	s7 =	sshll.u32 s28, $0x1;
	[dreg:$0x2] =	wrdreg s5  }
0xaf: {  	[dreg:$0x3] =	wrdreg s7  }
0xb0: {  	[dreg:$0x4] =	wrdreg $0xC0  }
0xb1: {  	_ =	task [dreg:s9], $0x5FFFF  }
0xb2: {  	[dreg:$0x1] =	wrdreg $0xFFFFFFFF  }
0xb3: {  	[dreg:$0x0] =	wrdreg $0x60  }
0xb4: {  	[dreg:$0x2] =	wrdreg s17  }
0xb5: {  	[dreg:$0x3] =	wrdreg s24  }
0xb6: {  	[dreg:$0x4] =	wrdreg s15  }
0xb7: {  	[dreg:$0x5] =	wrdreg s16  }
0xb8: {  	[dreg:$0x6] =	wrdreg $0xA7A00  }
0xb9: {  	[dreg:$0x7] =	wrdreg $0x9  }
0xba: {  	_ =	task.clear_ibuf [dreg:s9], $0x8FFFF;
	_ =	strace $0x90000046  }
0xbb: {  	s29 =	simm.s32 $0x9;
	_ =	strace $0x80000048  }
0xbc: {  	_ =	swait.ge [sflag:s29], $0x1  }
0xbd: {  	[sflag:s29] =	ssyncadd.s32 $0xFFFFFFFF  }
0xbe: {  	_ =	strace $0x90000048  }
0xbf: {  	_ =	sfence  }
0xc0: {  	s30 =	sld [smem:$0x0];
	_ =	sdelay $0x2  }
0xc1: {  	s31 =	sshll.u32 s1, $0xD;
	s1 =	sshrl.u32 s1, $0x2  }
0xc2: {  	s3 =	sand.u32 $0x4000, s31;
	s1 =	sadd.s32 s1, s30  }
0xc3: {  	s0 =	sor.u32 s3, s0;
	s1 =	sshll.u32 s1, $0x11  }
0xc4: {  	s0 =	sor.u32 s1, s0  }
0xc5: {  	s0 =	sadd.s32 $0x8F2B, s0  }
0xc6: {  	[sflag:s0] =	ssyncadd.remote.s32 $0x1  }
0xc7: {  	_ =	sfence.sel $0xFFFF  }
0xc8: {  	[dreg:$0x0] =	wrdreg $0xFFFFFFFF;
	(pc) =	sbr.abs _section_cstart, $3  }
0xc9: {  	[dreg:$0x1] =	wrdreg $0xFFFFFFFF  }
0xca: {  	_ =	task.clear_ibuf [dreg:s9], $0x2FFFF;
	_ =	strace $0x9FFFFFFF  }
0xcb: {  	(tm) =	ssettm $0x7FFFFFFF  }
tec
execute0_lowered:
.L_overlay_start_1:
0x0: {  	(tag) =	ssettag $0x1  }
0x1: {  	s1 =	rddreg [dreg:$0x0]  }
0x2: {  	s0 =	rddreg [dreg:$0x1]  }
0x3: {  	s8 =	rddreg [dreg:$0x2]  }
0x4: {  	s9 =	rddreg [dreg:$0x3]  }
0x5: {  	s2 =	rddreg [dreg:$0x4];
	s3 =	simm.s32 $0x0;
	s5 =	srdreg.scid  }
0x6: {  	s16 =	stileid.u32;
	s17 =	simm.s32 $0x8E20;
	s18 =	simm.s32 $0x3  }
0x7: {  	s19 =	simm.s32 $0x6;
	s20 =	simm.s32 $0x2;
	s21 =	simm.s32 $0x1  }
0x8: {  	s22 =	simm.s32 $0x80;
	s24 =	simm.s32 $0x620;
	s23 =	simm.s32 $0xA720  }
0x9: {  	s28 =	simm.s32 $0x8DA0;
	s29 =	simm.s32 $0x8820;
	s30 =	simm.s32 $0x5  }
0xa: {  	[smem:$0x7FF] =	sst s3;
	s4 =	sadd.s32 $0x800, s0;
	s13 =	sand.u32 $0x1, s5  }
0xb: {  	s5 =	sadd.s32 $0xA00, s0;
	s10 =	smul.u32 $0x1860, s16;
	s11 =	sshll.u32 s16, $0x7  }
0xc: {  	s6 =	sadd.s32 $0x3C00, s0;
	p0 =	sne.s32 s16, $0x0;
	p2 =	seq.s32 s16, $0x0  }
0xd: {  	_ =	strace $0x80000047;
	s7 =	ssub.s32 $0x2, s13;
	s12 =	sshll.u32 s13, $0x6  }
0xe: {  	p1 =	sne.s32 s13, $0x0;
	s14 =	sshrl.u32 s7, $0x1;
	s12 =	sor.u32 s12, s11  }
0xf: {  	s25 =	sshrl.u32 s10, $0x3;
	s10 =	sadd.s32 s10, s2;
	s11 =	sadd.s32 $0x18600, s2  }
.Ltmp0:
0x10: {  	v1 =	vimm.s32 $0x3FF;
	s15 =	ssub.s32 s7, s14;
	s26 =	sadd.s32 s8, s25;
	(pc) =	sbr.rel .LBB2_1-.Ltmp0, $4  }
0x11: {  	s7 =	sadd.s32 s0, s12;
	s8 =	sadd.s32 $0x30C0, s8;
	[dreg:$0x6] =	wrdreg s26  }
0x12: {  	s12 =	sadd.s32 s9, s12;
	s31 =	sadd.s32 s6, s25;
	[dreg:$0x7] =	wrdreg s8  }
0x13: {  	v3 =	vlaneseq.u32;
	s14 =	sadd.s32 s5, s25;
	s0 =	simm.s32 $0x4;
	[dreg:$0x8] =	wrdreg s31  }
0x14: {  	v0 =	vimm.s32 $0x1;
	v2 =	vimm.s32 $0x0;
	v3 =	vmul.u32 $0x40, v3;
	s15 =	smax.u32 s15, $0x1;
	s26 =	simm.s32 $0x8D20;
	s8 =	simm.s32 $0x0  }
.LBB2_25:
0x15: {  	s13 =	simm.s32 $0xA680  }
0x16: {  	[tilespmem:s13], [sflag:$0x6] =	stream.linear.gather [spmem:s11], $0xA0, $0x38;
	[tilespmem:$0xC010] =	vst v63  }
0x17: {  	_ =	swait.ge [sflag:s19], $0xA0  }
0x18: {  	[sflag:s19] =	ssyncset.done $0x0  }
0x19: {  	s9 =	sadd.s32 $0x30C0, s9;
	[sflag:s19] =	ssyncadd.s32 $0xFFFFFF60  }
0x1a: {  	[hbm4b:s9+s3] =	stream.linear.scatter [tilespmem:s13], [sflag:$0x6], $0xA0, $0x38;
	[tilespmem:$0xC010] =	vst v63  }
0x1b: {  	_ =	swait.ge [sflag:s19], $0xA0  }
0x1c: {  	[sflag:s19] =	ssyncset.done $0x0  }
0x1d: {  	[sflag:s19] =	ssyncadd.s32 $0xFFFFFF60  }
.LBB2_26:
0x1e: {  	s8 =	sadd.s32 $0x1, s8  }
0x1f: {  	p3 =	sne.s32 s8, s15  }
.Ltmp1:
0x20: {  	_ = 	snop;
	(pc) =	sbr.rel @!p3 .LBB2_27-.Ltmp1, $1  }
0x21: {  	_ =	sdelay $0x3  }
.LBB2_1:
0x22: {  	[tilespmem:s3], [sflag:$0x1] =	stream.linear.gather [hbm4b:s4+s3], $0x620, $0x38;
	[tilespmem:$0xC010] =	vst v63  }
0x23: {  	s9 =	simm.s32 $0x8620  }
0x24: {  	[tilespmem:s9], [sflag:$0x2] =	stream.linear.gather [hbm4b:s7+s3], $0x200, $0x38;
	[tilespmem:$0xC010] =	vst v63  }
0x25: {  	[tilespmem:$0xA720] =	vst v0  }
0x26: {  	[tilespmem:$0xA730] =	vst v0  }
0x27: {  	[tilespmem:$0xA740] =	vst v0  }
.Ltmp2:
0x28: {  	[tilespmem:$0xA750] =	vst v0;
	(pc) =	sbr.rel @p1 .LBB2_3-.Ltmp2, $4  }
0x29: {  	[tilespmem:$0xA760] =	vst v0  }
0x2a: {  	[tilespmem:$0xA770] =	vst v0  }
0x2b: {  	[tilespmem:$0xA780] =	vst v0  }
0x2c: {  	[tilespmem:$0xA790] =	vst v0  }
0x2d: {  	s9 =	rddreg [dreg:$0x6]  }
0x2e: {  	[tilespmem:s17], [sflag:$0x3] =	stream.linear.gather [hbm4b:s9+s3], $0x1860, $0x38;
	[tilespmem:$0xC010] =	vst v63  }
0x2f: {  	s13 =	simm.s32 @!p0 $0xA680;
	s16 =	rddreg [dreg:$0x7];
	s9 =	simm.s32 @!p0 $0x0  }
0x30: {  	[tilespmem:s13], [sflag:$0x6] =	stream.linear.gather @!p0 [hbm4b:s16+s9], $0xA0, $0x38;
	[tilespmem:$0xC010] =	vst v63  }
0x31: {  	s9 =	simm.s32 @!p0 $0x6  }
0x32: {  	_ =	swait.ge @!p0 [sflag:s9], $0xA0  }
.Ltmp3:
0x33: {  	[sflag:s9] =	ssyncset.done @!p0 $0x0;
	(pc) =	sbr.rel .LBB2_6-.Ltmp3, $4  }
0x34: {  	[sflag:s9] =	ssyncadd.s32 @!p0 $0xFFFFFF60  }
0x35: {  	_ =	swait.ge [sflag:s18], $0x1860  }
0x36: {  	[sflag:s18] =	ssyncset.done $0x0  }
0x37: {  	[sflag:s18] =	ssyncadd.s32 $0xFFFFE7A0  }
.LBB2_3:
0x38: {  	s13 =	simm.s32 $0x100;
	s9 =	simm.s32 $0x0  }
.LBB2_4:
0x39: {  	p3 =	sne.s32 s13, $0x6000;
	[tilespmem:s9+$0x8E50] =	vst v2;
	s16 =	smov.u32 s13;
	s13 =	sadd.s32 $0x100, s13  }
.Ltmp4:
0x3a: {  	[tilespmem:s9+$0x8E40] =	vst v2;
	(pc) =	sbr.rel @p3 .LBB2_4-.Ltmp4, $3  }
0x3b: {  	[tilespmem:s9+$0x8E20] =	vst v2  }
0x3c: {  	[tilespmem:s9+$0x8E30] =	vst v2;
	_ =	sdelay $0x1  }
0x3d: {  	s9 =	sshra.s32 s16, $0x2  }
0x3e: {  	[tilespmem:s9+$0x8E50] =	vst v2  }
0x3f: {  	[tilespmem:s9+$0x8E40] =	vst v2  }
0x40: {  	[tilespmem:s9+$0x8E20] =	vst v2  }
0x41: {  	[tilespmem:s9+$0x8E30] =	vst v2  }
0x42: {  	[tilespmem:$0xA670] =	vst v2  }
0x43: {  	v4 =	vimm.s32 @!p0 $0x0;
	[tilespmem:$0xA660] =	vst v2  }
0x44: {  	[tilespmem:$0xA680] =	vst @!p0 v4  }
0x45: {  	[tilespmem:$0xA690] =	vst @!p0 v4  }
0x46: {  	[tilespmem:$0xA6A0] =	vst @!p0 v4  }
0x47: {  	[tilespmem:$0xA6B0] =	vst @!p0 v4  }
0x48: {  	[tilespmem:$0xA6C0] =	vst @!p0 v4  }
0x49: {  	[tilespmem:$0xA6D0] =	vst @!p0 v4  }
0x4a: {  	[tilespmem:$0xA6E0] =	vst @!p0 v4  }
0x4b: {  	[tilespmem:$0xA6F0] =	vst @!p0 v4  }
0x4c: {  	[tilespmem:$0xA700] =	vst @!p0 v4  }
0x4d: {  	[tilespmem:$0xA710] =	vst @!p0 v4  }
.LBB2_6:
0x4e: {  	[spmem:s10] =	stream.linear.scatter [tilespmem:s17], [sflag:$0x6], $0x1860, $0x38;
	[tilespmem:$0xC010] =	vst v63  }
0x4f: {  	_ =	swait.ge [sflag:s19], $0x1860  }
0x50: {  	[sflag:s19] =	ssyncset.done $0x0  }
0x51: {  	s9 =	simm.s32 @!p0 $0xA680;
	[sflag:s19] =	ssyncadd.s32 $0xFFFFE7A0  }
0x52: {  	[spmem:s11] =	stream.linear.scatter @!p0 [tilespmem:s9], [sflag:$0x6], $0xA0, $0x38;
	[tilespmem:$0xC010] =	vst v63  }
0x53: {  	s9 =	simm.s32 @!p0 $0x6  }
0x54: {  	_ =	swait.ge @!p0 [sflag:s9], $0xA0  }
0x55: {  	[sflag:s9] =	ssyncset.done @!p0 $0x0  }
0x56: {  	[sflag:s9] =	ssyncadd.s32 @!p0 $0xFFFFFF60  }
0x57: {  	_ =	swait.ge [sflag:s20], $0x200  }
0x58: {  	[sflag:s20] =	ssyncset.done $0x0  }
0x59: {  	[sflag:s20] =	ssyncadd.s32 $0xFFFFFE00  }
0x5a: {  	_ =	swait.ge [sflag:s21], $0x620  }
0x5b: {  	[sflag:s21] =	ssyncset.done $0x0  }
0x5c: {  	s31 =	simm.s32 $0x0;
	[sflag:s21] =	ssyncadd.s32 $0xFFFFF9E0  }
.LBB2_7:
0x5d: {  	s9 =	sshra.s32 s31, $0x2;
	v5 =	vld.idx.msk [tilespmem:v1+s3+$0x0], $0xffff  }
0x5e: {  	v4 =	vld [tilespmem:s9+$0x8620];
	_ =	sdelay $0x4  }
0x5f: {  	vm0 =	vlt.f32 v5, v4  }
0x60: {  	v5 =	vsel vm0, $0x400, v2  }
0x61: {  	v6 =	vor.u32 $0x1FF, v5;
	_ =	sdelay $0x4  }
0x62: {  	v6 =	vld.idx.msk [tilespmem:v6+s3+$0x0], $0xffff;
	_ =	sdelay $0x4  }
0x63: {  	v54 =	vor.u32 $0x200, v5;
	vm5 =	vlt.f32 v6, v4  }
0x64: {  	v5 =	vsel vm5, v54, v5  }
0x65: {  	v6 =	vor.u32 $0xFF, v5  }
0x66: {  	v7 =	vmin.u32 v6, $0x61A;
	_ =	sdelay $0x4  }
0x67: {  	v7 =	vld.idx.msk [tilespmem:v7+s3+$0x0], $0xffff;
	_ =	sdelay $0x4  }
0x68: {  	vm6 =	vlt.u32 v6, $0x61B;
	vm1 =	vlt.f32 v7, v4  }
0x69: {  	v55 =	vor.u32 $0x100, v5;
	vm0 =	vmand vm1, vm6  }
0x6a: {  	v5 =	vsel vm0, v55, v5  }
0x6b: {  	v6 =	vor.u32 $0x7F, v5  }
0x6c: {  	v56 =	vmin.u32 v6, $0x61A;
	_ =	sdelay $0x4  }
0x6d: {  	v7 =	vld.idx.msk [tilespmem:v56+s3+$0x0], $0xffff;
	_ =	sdelay $0x4  }
0x6e: {  	vm7 =	vlt.u32 v6, $0x61B;
	vm8 =	vlt.f32 v7, v4  }
0x6f: {  	v57 =	vor.u32 $0x80, v5;
	vm0 =	vmand vm8, vm7  }
0x70: {  	v5 =	vsel vm0, v57, v5  }
0x71: {  	v6 =	vmin.u32 v5, $0x5DB  }
0x72: {  	v6 =	vadd.s32 $0x3F, v6;
	_ =	sdelay $0x4  }
0x73: {  	v6 =	vld.idx.msk [tilespmem:v6+s3+$0x0], $0xffff;
	_ =	sdelay $0x4  }
0x74: {  	vm0 =	vlt.u32 v5, $0x5DC;
	vm9 =	vlt.f32 v6, v4  }
0x75: {  	v58 =	vadd.s32 $0x40, v5;
	vm0 =	vmand vm9, vm0  }
0x76: {  	v5 =	vsel vm0, v58, v5  }
0x77: {  	v6 =	vmin.u32 v5, $0x5FB  }
0x78: {  	v6 =	vadd.s32 $0x1F, v6;
	_ =	sdelay $0x4  }
0x79: {  	v6 =	vld.idx.msk [tilespmem:v6+s3+$0x0], $0xffff;
	_ =	sdelay $0x4  }
0x7a: {  	vm0 =	vlt.u32 v5, $0x5FC;
	vm10 =	vlt.f32 v6, v4  }
0x7b: {  	v59 =	vadd.s32 $0x20, v5;
	vm0 =	vmand vm10, vm0  }
0x7c: {  	v5 =	vsel vm0, v59, v5  }
0x7d: {  	v6 =	vmin.u32 v5, $0x60B  }
0x7e: {  	v6 =	vadd.s32 $0xF, v6;
	_ =	sdelay $0x4  }
0x7f: {  	v6 =	vld.idx.msk [tilespmem:v6+s3+$0x0], $0xffff;
	_ =	sdelay $0x4  }
0x80: {  	vm0 =	vlt.u32 v5, $0x60C;
	vm11 =	vlt.f32 v6, v4  }
0x81: {  	v60 =	vadd.s32 $0x10, v5;
	vm0 =	vmand vm11, vm0  }
0x82: {  	v5 =	vsel vm0, v60, v5  }
0x83: {  	v6 =	vmin.u32 v5, $0x613  }
0x84: {  	v6 =	vadd.s32 $0x7, v6;
	_ =	sdelay $0x4  }
0x85: {  	v6 =	vld.idx.msk [tilespmem:v6+s3+$0x0], $0xffff;
	_ =	sdelay $0x4  }
0x86: {  	vm0 =	vlt.u32 v5, $0x614;
	vm12 =	vlt.f32 v6, v4  }
0x87: {  	v61 =	vadd.s32 $0x8, v5;
	vm0 =	vmand vm12, vm0  }
0x88: {  	v5 =	vsel vm0, v61, v5  }
0x89: {  	v6 =	vmin.u32 v5, $0x617  }
0x8a: {  	v6 =	vadd.s32 $0x3, v6;
	_ =	sdelay $0x4  }
0x8b: {  	v6 =	vld.idx.msk [tilespmem:v6+s3+$0x0], $0xffff;
	_ =	sdelay $0x4  }
0x8c: {  	vm0 =	vlt.u32 v5, $0x618;
	vm13 =	vlt.f32 v6, v4  }
0x8d: {  	v62 =	vadd.s32 $0x4, v5;
	vm0 =	vmand vm13, vm0  }
0x8e: {  	v5 =	vsel vm0, v62, v5  }
0x8f: {  	v6 =	vmin.u32 v5, $0x619  }
0x90: {  	v6 =	vadd.s32 $0x1, v6;
	_ =	sdelay $0x4  }
0x91: {  	v6 =	vld.idx.msk [tilespmem:v6+s3+$0x0], $0xffff;
	_ =	sdelay $0x4  }
0x92: {  	vm0 =	vlt.u32 v5, $0x61A;
	vm14 =	vlt.f32 v6, v4  }
0x93: {  	v63 =	vadd.s32 $0x2, v5;
	vm0 =	vmand vm14, vm0  }
0x94: {  	v5 =	vsel vm0, v63, v5  }
0x95: {  	v6 =	vmin.u32 v5, $0x61A;
	_ =	sdelay $0x4  }
0x96: {  	v6 =	vld.idx.msk [tilespmem:v6+s3+$0x0], $0xffff;
	_ =	sdelay $0x3  }
0x97: {  	p3 =	sne.s32 s31, $0x1C0  }
.Ltmp5:
0x98: {  	vm0 =	vlt.u32 v5, $0x61B;
	vm15 =	vlt.f32 v6, v4;
	(pc) =	sbr.rel @p3 .LBB2_7-.Ltmp5, $4  }
0x99: {  	vm0 =	vmand vm15, vm0  }
0x9a: {  	v4 =	vsel vm0, $0x1, v2  }
0x9b: {  	v4 =	vadd.s32 v4, v5  }
0x9c: {  	s31 =	sadd.s32 $0x40, s31;
	[tilespmem:s9+$0x8A20] =	vst v4  }
0x9d: {  	s9 =	simm.s32 $0x8A20;
	s31 =	simm.s32 $0x0  }
0x9e: {  	[tilespmem:s24], [sflag:$0x4] =	stream.indirect.gather [hbm4b:s1+s22], $0x40, s9, s22, $0xb8;
	[tilespmem:$0xC010] =	vst v63  }
.LBB2_9:
0x9f: {  	s9 =	sshra.s32 s31, $0x2;
	v5 =	vld.idx.msk [tilespmem:v1+s3+$0x0], $0xffff  }
0xa0: {  	v4 =	vld [tilespmem:s9+$0x86A0];
	_ =	sdelay $0x4  }
0xa1: {  	vm0 =	vlt.f32 v5, v4  }
0xa2: {  	v5 =	vsel vm0, $0x400, v2  }
0xa3: {  	v6 =	vor.u32 $0x1FF, v5;
	_ =	sdelay $0x4  }
0xa4: {  	v6 =	vld.idx.msk [tilespmem:v6+s3+$0x0], $0xffff;
	_ =	sdelay $0x4  }
0xa5: {  	v54 =	vor.u32 $0x200, v5;
	vm5 =	vlt.f32 v6, v4  }
0xa6: {  	v5 =	vsel vm5, v54, v5  }
0xa7: {  	v6 =	vor.u32 $0xFF, v5  }
0xa8: {  	v7 =	vmin.u32 v6, $0x61A;
	_ =	sdelay $0x4  }
0xa9: {  	v7 =	vld.idx.msk [tilespmem:v7+s3+$0x0], $0xffff;
	_ =	sdelay $0x4  }
0xaa: {  	vm6 =	vlt.u32 v6, $0x61B;
	vm1 =	vlt.f32 v7, v4  }
0xab: {  	v55 =	vor.u32 $0x100, v5;
	vm0 =	vmand vm1, vm6  }
0xac: {  	v5 =	vsel vm0, v55, v5  }
0xad: {  	v6 =	vor.u32 $0x7F, v5  }
0xae: {  	v56 =	vmin.u32 v6, $0x61A;
	_ =	sdelay $0x4  }
0xaf: {  	v7 =	vld.idx.msk [tilespmem:v56+s3+$0x0], $0xffff;
	_ =	sdelay $0x4  }
0xb0: {  	vm7 =	vlt.u32 v6, $0x61B;
	vm8 =	vlt.f32 v7, v4  }
0xb1: {  	v57 =	vor.u32 $0x80, v5;
	vm0 =	vmand vm8, vm7  }
0xb2: {  	v5 =	vsel vm0, v57, v5  }
0xb3: {  	v6 =	vmin.u32 v5, $0x5DB  }
0xb4: {  	v6 =	vadd.s32 $0x3F, v6;
	_ =	sdelay $0x4  }
0xb5: {  	v6 =	vld.idx.msk [tilespmem:v6+s3+$0x0], $0xffff;
	_ =	sdelay $0x4  }
0xb6: {  	vm0 =	vlt.u32 v5, $0x5DC;
	vm9 =	vlt.f32 v6, v4  }
0xb7: {  	v58 =	vadd.s32 $0x40, v5;
	vm0 =	vmand vm9, vm0  }
0xb8: {  	v5 =	vsel vm0, v58, v5  }
0xb9: {  	v6 =	vmin.u32 v5, $0x5FB  }
0xba: {  	v6 =	vadd.s32 $0x1F, v6;
	_ =	sdelay $0x4  }
0xbb: {  	v6 =	vld.idx.msk [tilespmem:v6+s3+$0x0], $0xffff;
	_ =	sdelay $0x4  }
0xbc: {  	vm0 =	vlt.u32 v5, $0x5FC;
	vm10 =	vlt.f32 v6, v4  }
0xbd: {  	v59 =	vadd.s32 $0x20, v5;
	vm0 =	vmand vm10, vm0  }
0xbe: {  	v5 =	vsel vm0, v59, v5  }
0xbf: {  	v6 =	vmin.u32 v5, $0x60B  }
0xc0: {  	v6 =	vadd.s32 $0xF, v6;
	_ =	sdelay $0x4  }
0xc1: {  	v6 =	vld.idx.msk [tilespmem:v6+s3+$0x0], $0xffff;
	_ =	sdelay $0x4  }
0xc2: {  	vm0 =	vlt.u32 v5, $0x60C;
	vm11 =	vlt.f32 v6, v4  }
0xc3: {  	v60 =	vadd.s32 $0x10, v5;
	vm0 =	vmand vm11, vm0  }
0xc4: {  	v5 =	vsel vm0, v60, v5  }
0xc5: {  	v6 =	vmin.u32 v5, $0x613  }
0xc6: {  	v6 =	vadd.s32 $0x7, v6;
	_ =	sdelay $0x4  }
0xc7: {  	v6 =	vld.idx.msk [tilespmem:v6+s3+$0x0], $0xffff;
	_ =	sdelay $0x4  }
0xc8: {  	vm0 =	vlt.u32 v5, $0x614;
	vm12 =	vlt.f32 v6, v4  }
0xc9: {  	v61 =	vadd.s32 $0x8, v5;
	vm0 =	vmand vm12, vm0  }
0xca: {  	v5 =	vsel vm0, v61, v5  }
0xcb: {  	v6 =	vmin.u32 v5, $0x617  }
0xcc: {  	v6 =	vadd.s32 $0x3, v6;
	_ =	sdelay $0x4  }
0xcd: {  	v6 =	vld.idx.msk [tilespmem:v6+s3+$0x0], $0xffff;
	_ =	sdelay $0x4  }
0xce: {  	vm0 =	vlt.u32 v5, $0x618;
	vm13 =	vlt.f32 v6, v4  }
0xcf: {  	v62 =	vadd.s32 $0x4, v5;
	vm0 =	vmand vm13, vm0  }
0xd0: {  	v5 =	vsel vm0, v62, v5  }
0xd1: {  	v6 =	vmin.u32 v5, $0x619  }
0xd2: {  	v6 =	vadd.s32 $0x1, v6;
	_ =	sdelay $0x4  }
0xd3: {  	v6 =	vld.idx.msk [tilespmem:v6+s3+$0x0], $0xffff;
	_ =	sdelay $0x4  }
0xd4: {  	vm0 =	vlt.u32 v5, $0x61A;
	vm14 =	vlt.f32 v6, v4  }
0xd5: {  	v63 =	vadd.s32 $0x2, v5;
	vm0 =	vmand vm14, vm0  }
0xd6: {  	v5 =	vsel vm0, v63, v5  }
0xd7: {  	v6 =	vmin.u32 v5, $0x61A;
	_ =	sdelay $0x4  }
0xd8: {  	v6 =	vld.idx.msk [tilespmem:v6+s3+$0x0], $0xffff;
	_ =	sdelay $0x3  }
0xd9: {  	p3 =	sne.s32 s31, $0x1C0  }
.Ltmp6:
0xda: {  	vm0 =	vlt.u32 v5, $0x61B;
	vm15 =	vlt.f32 v6, v4;
	(pc) =	sbr.rel @p3 .LBB2_9-.Ltmp6, $4  }
0xdb: {  	vm0 =	vmand vm15, vm0  }
0xdc: {  	v4 =	vsel vm0, $0x1, v2  }
0xdd: {  	v4 =	vadd.s32 v4, v5  }
0xde: {  	s31 =	sadd.s32 $0x40, s31;
	[tilespmem:s9+$0x8AA0] =	vst v4  }
0xdf: {  	s9 =	simm.s32 $0x8AA0;
	s13 =	simm.s32 $0x2620;
	s31 =	simm.s32 $0x0  }
0xe0: {  	[tilespmem:s13], [sflag:$0x4] =	stream.indirect.gather [hbm4b:s1+s22], $0x40, s9, s22, $0xb8;
	[tilespmem:$0xC010] =	vst v63  }
.LBB2_11:
0xe1: {  	s9 =	sshra.s32 s31, $0x2;
	v5 =	vld.idx.msk [tilespmem:v1+s3+$0x0], $0xffff  }
0xe2: {  	v4 =	vld [tilespmem:s9+$0x8720];
	_ =	sdelay $0x4  }
0xe3: {  	vm0 =	vlt.f32 v5, v4  }
0xe4: {  	v5 =	vsel vm0, $0x400, v2  }
0xe5: {  	v6 =	vor.u32 $0x1FF, v5;
	_ =	sdelay $0x4  }
0xe6: {  	v6 =	vld.idx.msk [tilespmem:v6+s3+$0x0], $0xffff;
	_ =	sdelay $0x4  }
0xe7: {  	v54 =	vor.u32 $0x200, v5;
	vm5 =	vlt.f32 v6, v4  }
0xe8: {  	v5 =	vsel vm5, v54, v5  }
0xe9: {  	v6 =	vor.u32 $0xFF, v5  }
0xea: {  	v7 =	vmin.u32 v6, $0x61A;
	_ =	sdelay $0x4  }
0xeb: {  	v7 =	vld.idx.msk [tilespmem:v7+s3+$0x0], $0xffff;
	_ =	sdelay $0x4  }
0xec: {  	vm6 =	vlt.u32 v6, $0x61B;
	vm1 =	vlt.f32 v7, v4  }
0xed: {  	v55 =	vor.u32 $0x100, v5;
	vm0 =	vmand vm1, vm6  }
0xee: {  	v5 =	vsel vm0, v55, v5  }
0xef: {  	v6 =	vor.u32 $0x7F, v5  }
0xf0: {  	v56 =	vmin.u32 v6, $0x61A;
	_ =	sdelay $0x4  }
0xf1: {  	v7 =	vld.idx.msk [tilespmem:v56+s3+$0x0], $0xffff;
	_ =	sdelay $0x4  }
0xf2: {  	vm7 =	vlt.u32 v6, $0x61B;
	vm8 =	vlt.f32 v7, v4  }
0xf3: {  	v57 =	vor.u32 $0x80, v5;
	vm0 =	vmand vm8, vm7  }
0xf4: {  	v5 =	vsel vm0, v57, v5  }
0xf5: {  	v6 =	vmin.u32 v5, $0x5DB  }
0xf6: {  	v6 =	vadd.s32 $0x3F, v6;
	_ =	sdelay $0x4  }
0xf7: {  	v6 =	vld.idx.msk [tilespmem:v6+s3+$0x0], $0xffff;
	_ =	sdelay $0x4  }
0xf8: {  	vm0 =	vlt.u32 v5, $0x5DC;
	vm9 =	vlt.f32 v6, v4  }
0xf9: {  	v58 =	vadd.s32 $0x40, v5;
	vm0 =	vmand vm9, vm0  }
0xfa: {  	v5 =	vsel vm0, v58, v5  }
0xfb: {  	v6 =	vmin.u32 v5, $0x5FB  }
0xfc: {  	v6 =	vadd.s32 $0x1F, v6;
	_ =	sdelay $0x4  }
0xfd: {  	v6 =	vld.idx.msk [tilespmem:v6+s3+$0x0], $0xffff;
	_ =	sdelay $0x4  }
0xfe: {  	vm0 =	vlt.u32 v5, $0x5FC;
	vm10 =	vlt.f32 v6, v4  }
0xff: {  	v59 =	vadd.s32 $0x20, v5;
	vm0 =	vmand vm10, vm0  }
0x100: {  	v5 =	vsel vm0, v59, v5  }
0x101: {  	v6 =	vmin.u32 v5, $0x60B  }
0x102: {  	v6 =	vadd.s32 $0xF, v6;
	_ =	sdelay $0x4  }
0x103: {  	v6 =	vld.idx.msk [tilespmem:v6+s3+$0x0], $0xffff;
	_ =	sdelay $0x4  }
0x104: {  	vm0 =	vlt.u32 v5, $0x60C;
	vm11 =	vlt.f32 v6, v4  }
0x105: {  	v60 =	vadd.s32 $0x10, v5;
	vm0 =	vmand vm11, vm0  }
0x106: {  	v5 =	vsel vm0, v60, v5  }
0x107: {  	v6 =	vmin.u32 v5, $0x613  }
0x108: {  	v6 =	vadd.s32 $0x7, v6;
	_ =	sdelay $0x4  }
0x109: {  	v6 =	vld.idx.msk [tilespmem:v6+s3+$0x0], $0xffff;
	_ =	sdelay $0x4  }
0x10a: {  	vm0 =	vlt.u32 v5, $0x614;
	vm12 =	vlt.f32 v6, v4  }
0x10b: {  	v61 =	vadd.s32 $0x8, v5;
	vm0 =	vmand vm12, vm0  }
0x10c: {  	v5 =	vsel vm0, v61, v5  }
0x10d: {  	v6 =	vmin.u32 v5, $0x617  }
0x10e: {  	v6 =	vadd.s32 $0x3, v6;
	_ =	sdelay $0x4  }
0x10f: {  	v6 =	vld.idx.msk [tilespmem:v6+s3+$0x0], $0xffff;
	_ =	sdelay $0x4  }
0x110: {  	vm0 =	vlt.u32 v5, $0x618;
	vm13 =	vlt.f32 v6, v4  }
0x111: {  	v62 =	vadd.s32 $0x4, v5;
	vm0 =	vmand vm13, vm0  }
0x112: {  	v5 =	vsel vm0, v62, v5  }
0x113: {  	v6 =	vmin.u32 v5, $0x619  }
0x114: {  	v6 =	vadd.s32 $0x1, v6;
	_ =	sdelay $0x4  }
0x115: {  	v6 =	vld.idx.msk [tilespmem:v6+s3+$0x0], $0xffff;
	_ =	sdelay $0x4  }
0x116: {  	vm0 =	vlt.u32 v5, $0x61A;
	vm14 =	vlt.f32 v6, v4  }
0x117: {  	v63 =	vadd.s32 $0x2, v5;
	vm0 =	vmand vm14, vm0  }
0x118: {  	v5 =	vsel vm0, v63, v5  }
0x119: {  	v6 =	vmin.u32 v5, $0x61A;
	_ =	sdelay $0x4  }
0x11a: {  	v6 =	vld.idx.msk [tilespmem:v6+s3+$0x0], $0xffff;
	_ =	sdelay $0x3  }
0x11b: {  	p3 =	sne.s32 s31, $0x1C0  }
.Ltmp7:
0x11c: {  	vm0 =	vlt.u32 v5, $0x61B;
	vm15 =	vlt.f32 v6, v4;
	(pc) =	sbr.rel @p3 .LBB2_11-.Ltmp7, $4  }
0x11d: {  	vm0 =	vmand vm15, vm0  }
0x11e: {  	v4 =	vsel vm0, $0x1, v2  }
0x11f: {  	v4 =	vadd.s32 v4, v5  }
0x120: {  	s31 =	sadd.s32 $0x40, s31;
	[tilespmem:s9+$0x8B20] =	vst v4  }
0x121: {  	s9 =	simm.s32 $0x8B20;
	s13 =	simm.s32 $0x4620;
	s31 =	simm.s32 $0x0  }
0x122: {  	[tilespmem:s13], [sflag:$0x4] =	stream.indirect.gather [hbm4b:s1+s22], $0x40, s9, s22, $0xb8;
	[tilespmem:$0xC010] =	vst v63  }
.LBB2_13:
0x123: {  	s9 =	sshra.s32 s31, $0x2;
	v5 =	vld.idx.msk [tilespmem:v1+s3+$0x0], $0xffff  }
0x124: {  	v4 =	vld [tilespmem:s9+$0x87A0];
	_ =	sdelay $0x4  }
0x125: {  	vm0 =	vlt.f32 v5, v4  }
0x126: {  	v5 =	vsel vm0, $0x400, v2  }
0x127: {  	v6 =	vor.u32 $0x1FF, v5;
	_ =	sdelay $0x4  }
0x128: {  	v6 =	vld.idx.msk [tilespmem:v6+s3+$0x0], $0xffff;
	_ =	sdelay $0x4  }
0x129: {  	v54 =	vor.u32 $0x200, v5;
	vm5 =	vlt.f32 v6, v4  }
0x12a: {  	v5 =	vsel vm5, v54, v5  }
0x12b: {  	v6 =	vor.u32 $0xFF, v5  }
0x12c: {  	v7 =	vmin.u32 v6, $0x61A;
	_ =	sdelay $0x4  }
0x12d: {  	v7 =	vld.idx.msk [tilespmem:v7+s3+$0x0], $0xffff;
	_ =	sdelay $0x4  }
0x12e: {  	vm6 =	vlt.u32 v6, $0x61B;
	vm1 =	vlt.f32 v7, v4  }
0x12f: {  	v55 =	vor.u32 $0x100, v5;
	vm0 =	vmand vm1, vm6  }
0x130: {  	v5 =	vsel vm0, v55, v5  }
0x131: {  	v6 =	vor.u32 $0x7F, v5  }
0x132: {  	v56 =	vmin.u32 v6, $0x61A;
	_ =	sdelay $0x4  }
0x133: {  	v7 =	vld.idx.msk [tilespmem:v56+s3+$0x0], $0xffff;
	_ =	sdelay $0x4  }
0x134: {  	vm7 =	vlt.u32 v6, $0x61B;
	vm8 =	vlt.f32 v7, v4  }
0x135: {  	v57 =	vor.u32 $0x80, v5;
	vm0 =	vmand vm8, vm7  }
0x136: {  	v5 =	vsel vm0, v57, v5  }
0x137: {  	v6 =	vmin.u32 v5, $0x5DB  }
0x138: {  	v6 =	vadd.s32 $0x3F, v6;
	_ =	sdelay $0x4  }
0x139: {  	v6 =	vld.idx.msk [tilespmem:v6+s3+$0x0], $0xffff;
	_ =	sdelay $0x4  }
0x13a: {  	vm0 =	vlt.u32 v5, $0x5DC;
	vm9 =	vlt.f32 v6, v4  }
0x13b: {  	v58 =	vadd.s32 $0x40, v5;
	vm0 =	vmand vm9, vm0  }
0x13c: {  	v5 =	vsel vm0, v58, v5  }
0x13d: {  	v6 =	vmin.u32 v5, $0x5FB  }
0x13e: {  	v6 =	vadd.s32 $0x1F, v6;
	_ =	sdelay $0x4  }
0x13f: {  	v6 =	vld.idx.msk [tilespmem:v6+s3+$0x0], $0xffff;
	_ =	sdelay $0x4  }
0x140: {  	vm0 =	vlt.u32 v5, $0x5FC;
	vm10 =	vlt.f32 v6, v4  }
0x141: {  	v59 =	vadd.s32 $0x20, v5;
	vm0 =	vmand vm10, vm0  }
0x142: {  	v5 =	vsel vm0, v59, v5  }
0x143: {  	v6 =	vmin.u32 v5, $0x60B  }
0x144: {  	v6 =	vadd.s32 $0xF, v6;
	_ =	sdelay $0x4  }
0x145: {  	v6 =	vld.idx.msk [tilespmem:v6+s3+$0x0], $0xffff;
	_ =	sdelay $0x4  }
0x146: {  	vm0 =	vlt.u32 v5, $0x60C;
	vm11 =	vlt.f32 v6, v4  }
0x147: {  	v60 =	vadd.s32 $0x10, v5;
	vm0 =	vmand vm11, vm0  }
0x148: {  	v5 =	vsel vm0, v60, v5  }
0x149: {  	v6 =	vmin.u32 v5, $0x613  }
0x14a: {  	v6 =	vadd.s32 $0x7, v6;
	_ =	sdelay $0x4  }
0x14b: {  	v6 =	vld.idx.msk [tilespmem:v6+s3+$0x0], $0xffff;
	_ =	sdelay $0x4  }
0x14c: {  	vm0 =	vlt.u32 v5, $0x614;
	vm12 =	vlt.f32 v6, v4  }
0x14d: {  	v61 =	vadd.s32 $0x8, v5;
	vm0 =	vmand vm12, vm0  }
0x14e: {  	v5 =	vsel vm0, v61, v5  }
0x14f: {  	v6 =	vmin.u32 v5, $0x617  }
0x150: {  	v6 =	vadd.s32 $0x3, v6;
	_ =	sdelay $0x4  }
0x151: {  	v6 =	vld.idx.msk [tilespmem:v6+s3+$0x0], $0xffff;
	_ =	sdelay $0x4  }
0x152: {  	vm0 =	vlt.u32 v5, $0x618;
	vm13 =	vlt.f32 v6, v4  }
0x153: {  	v62 =	vadd.s32 $0x4, v5;
	vm0 =	vmand vm13, vm0  }
0x154: {  	v5 =	vsel vm0, v62, v5  }
0x155: {  	v6 =	vmin.u32 v5, $0x619  }
0x156: {  	v6 =	vadd.s32 $0x1, v6;
	_ =	sdelay $0x4  }
0x157: {  	v6 =	vld.idx.msk [tilespmem:v6+s3+$0x0], $0xffff;
	_ =	sdelay $0x4  }
0x158: {  	vm0 =	vlt.u32 v5, $0x61A;
	vm14 =	vlt.f32 v6, v4  }
0x159: {  	v63 =	vadd.s32 $0x2, v5;
	vm0 =	vmand vm14, vm0  }
0x15a: {  	v5 =	vsel vm0, v63, v5  }
0x15b: {  	v6 =	vmin.u32 v5, $0x61A;
	_ =	sdelay $0x4  }
0x15c: {  	v6 =	vld.idx.msk [tilespmem:v6+s3+$0x0], $0xffff;
	_ =	sdelay $0x3  }
0x15d: {  	p3 =	sne.s32 s31, $0x1C0  }
.Ltmp8:
0x15e: {  	vm0 =	vlt.u32 v5, $0x61B;
	vm15 =	vlt.f32 v6, v4;
	(pc) =	sbr.rel @p3 .LBB2_13-.Ltmp8, $4  }
0x15f: {  	vm0 =	vmand vm15, vm0  }
0x160: {  	v4 =	vsel vm0, $0x1, v2  }
0x161: {  	v4 =	vadd.s32 v4, v5  }
0x162: {  	s31 =	sadd.s32 $0x40, s31;
	[tilespmem:s9+$0x8BA0] =	vst v4  }
0x163: {  	s9 =	simm.s32 $0x8BA0;
	s13 =	simm.s32 $0x6620  }
0x164: {  	[tilespmem:s13], [sflag:$0x4] =	stream.indirect.gather [hbm4b:s1+s22], $0x40, s9, s22, $0xb8;
	[tilespmem:$0xC010] =	vst v63  }
0x165: {  	[bflag:$0x0] =	sbarrier.arrive $0xFFFF  }
0x166: {  	s31 =	simm.s32 $0x8620;
	_ =	swait.ge [sflag:s0], $0x2000  }
0x167: {  	s16 =	simm.s32 $0x8A20;
	s25 =	simm.s32 $0x8820;
	[sflag:s0] =	ssyncset.done $0x0  }
0x168: {  	s9 =	simm.s32 $0x0;
	s13 =	simm.s32 $0x8C20;
	[sflag:s0] =	ssyncadd.s32 $0xFFFFE000  }
.LBB2_15:
0x169: {  	v4 =	vmov s9  }
0x16a: {  	v4 =	vshll.u32 v4, $0x6  }
0x16b: {  	v4 =	vor.u32 v3, v4  }
0x16c: {  	v5 =	vor.u32 $0x1F, v4;
	_ =	sdelay $0x3  }
0x16d: {  	v6 =	vld [tilespmem:s31+$0x0]  }
0x16e: {  	v5 =	vld.idx.msk [tilespmem:v5+s24+$0x0], $0xffff;
	_ =	sdelay $0x4  }
0x16f: {  	vm0 =	vlt.f32 v5, v6  }
0x170: {  	v5 =	vsel vm0, $0x20, v2  }
0x171: {  	v7 =	vor.u32 v5, v4  }
0x172: {  	v7 =	vor.u32 $0xF, v7;
	_ =	sdelay $0x4  }
0x173: {  	v7 =	vld.idx.msk [tilespmem:v7+s24+$0x0], $0xffff;
	_ =	sdelay $0x4  }
0x174: {  	v57 =	vor.u32 $0x10, v5;
	vm11 =	vlt.f32 v7, v6  }
0x175: {  	v5 =	vsel vm11, v57, v5  }
0x176: {  	v7 =	vor.u32 v5, v4  }
0x177: {  	v7 =	vor.u32 $0x7, v7;
	_ =	sdelay $0x4  }
0x178: {  	v7 =	vld.idx.msk [tilespmem:v7+s24+$0x0], $0xffff;
	_ =	sdelay $0x4  }
0x179: {  	v58 =	vor.u32 $0x8, v5;
	vm12 =	vlt.f32 v7, v6  }
0x17a: {  	v5 =	vsel vm12, v58, v5  }
0x17b: {  	v7 =	vor.u32 v5, v4  }
0x17c: {  	v7 =	vor.u32 $0x3, v7;
	_ =	sdelay $0x4  }
0x17d: {  	v7 =	vld.idx.msk [tilespmem:v7+s24+$0x0], $0xffff;
	_ =	sdelay $0x4  }
0x17e: {  	v59 =	vor.u32 $0x4, v5;
	vm13 =	vlt.f32 v7, v6  }
0x17f: {  	v5 =	vsel vm13, v59, v5  }
0x180: {  	v7 =	vadd.s32 $0x1, v5  }
0x181: {  	v8 =	vand.u32 $0xFFFFFFF8, v7  }
0x182: {  	v7 =	vand.u32 $0x7, v7;
	v8 =	vadd.s32 v4, v8  }
0x183: {  	v7 =	vor.u32 v7, v8;
	_ =	sdelay $0x4  }
0x184: {  	v7 =	vld.idx.msk [tilespmem:v7+s24+$0x0], $0xffff;
	_ =	sdelay $0x4  }
0x185: {  	v60 =	vadd.s32 $0x2, v5;
	vm14 =	vlt.f32 v7, v6  }
0x186: {  	v5 =	vsel vm14, v60, v5  }
0x187: {  	v7 =	vand.u32 $0xFFFFFFF8, v5  }
0x188: {  	v61 =	vand.u32 $0x7, v5;
	v4 =	vadd.s32 v4, v7  }
0x189: {  	v4 =	vor.u32 v61, v4;
	_ =	sdelay $0x4  }
0x18a: {  	v4 =	vld.idx.msk [tilespmem:v4+s24+$0x0], $0xffff  }
0x18b: {  	v62 =	vld [tilespmem:s16+$0x0];
	_ =	sdelay $0x3  }
0x18c: {  	p3 =	sne.s32 s9, $0x70;
	vm15 =	vlt.f32 v4, v6  }
.Ltmp9:
0x18d: {  	v63 =	vshll.u32 v62, $0x6;
	v4 =	vsel vm15, $0x1, v2;
	(pc) =	sbr.rel @p3 .LBB2_15-.Ltmp9, $4  }
0x18e: {  	v4 =	vor.u32 v4, v63  }
0x18f: {  	v4 =	vadd.s32 v5, v4  }
0x190: {  	s31 =	sadd.s32 $0x10, s31;
	s16 =	sadd.s32 $0x10, s16;
	[tilespmem:s25+$0x0] =	vst v4  }
0x191: {  	s9 =	sadd.s32 $0x10, s9;
	s25 =	sadd.s32 $0x10, s25;
	[tilespmem:s13+$0x0] =	vst v4;
	s13 =	sadd.s32 $0x10, s13  }
0x192: {  	s9 =	simm.s32 $0x80;
	s13 =	simm.s32 $0x8C20  }
0x193: {  	[spmem:s2] =	stream.indirect.scatter.add.s32 [tilespmem:s23], [sflag:$0x5], $0x1, s13, s9, $0xb8;
	[tilespmem:$0xC010] =	vst v63  }
0x194: {  	_ =	swait.ge [sflag:s0], $0x2000  }
0x195: {  	s31 =	simm.s32 $0x86A0;
	s16 =	simm.s32 $0x88A0;
	[sflag:s0] =	ssyncset.done $0x0  }
0x196: {  	s25 =	simm.s32 $0x8CA0;
	s13 =	simm.s32 $0x8AA0;
	[sflag:s0] =	ssyncadd.s32 $0xFFFFE000  }
.LBB2_17:
0x197: {  	v4 =	vmov s9  }
0x198: {  	v4 =	vshll.u32 v4, $0x6  }
0x199: {  	v4 =	vor.u32 v3, v4  }
0x19a: {  	v5 =	vor.u32 $0x1F, v4;
	_ =	sdelay $0x3  }
0x19b: {  	v6 =	vld [tilespmem:s31+$0x0]  }
0x19c: {  	v5 =	vld.idx.msk [tilespmem:v5+s24+$0x0], $0xffff;
	_ =	sdelay $0x4  }
0x19d: {  	vm0 =	vlt.f32 v5, v6  }
0x19e: {  	v5 =	vsel vm0, $0x20, v2  }
0x19f: {  	v7 =	vor.u32 v5, v4  }
0x1a0: {  	v7 =	vor.u32 $0xF, v7;
	_ =	sdelay $0x4  }
0x1a1: {  	v7 =	vld.idx.msk [tilespmem:v7+s24+$0x0], $0xffff;
	_ =	sdelay $0x4  }
0x1a2: {  	v57 =	vor.u32 $0x10, v5;
	vm11 =	vlt.f32 v7, v6  }
0x1a3: {  	v5 =	vsel vm11, v57, v5  }
0x1a4: {  	v7 =	vor.u32 v5, v4  }
0x1a5: {  	v7 =	vor.u32 $0x7, v7;
	_ =	sdelay $0x4  }
0x1a6: {  	v7 =	vld.idx.msk [tilespmem:v7+s24+$0x0], $0xffff;
	_ =	sdelay $0x4  }
0x1a7: {  	v58 =	vor.u32 $0x8, v5;
	vm12 =	vlt.f32 v7, v6  }
0x1a8: {  	v5 =	vsel vm12, v58, v5  }
0x1a9: {  	v7 =	vor.u32 v5, v4  }
0x1aa: {  	v7 =	vor.u32 $0x3, v7;
	_ =	sdelay $0x4  }
0x1ab: {  	v7 =	vld.idx.msk [tilespmem:v7+s24+$0x0], $0xffff;
	_ =	sdelay $0x4  }
0x1ac: {  	v59 =	vor.u32 $0x4, v5;
	vm13 =	vlt.f32 v7, v6  }
0x1ad: {  	v5 =	vsel vm13, v59, v5  }
0x1ae: {  	v7 =	vadd.s32 $0x1, v5  }
0x1af: {  	v8 =	vand.u32 $0xFFFFFFF8, v7  }
0x1b0: {  	v7 =	vand.u32 $0x7, v7;
	v8 =	vadd.s32 v4, v8  }
0x1b1: {  	v7 =	vor.u32 v7, v8;
	_ =	sdelay $0x4  }
0x1b2: {  	v7 =	vld.idx.msk [tilespmem:v7+s24+$0x0], $0xffff;
	_ =	sdelay $0x4  }
0x1b3: {  	v60 =	vadd.s32 $0x2, v5;
	vm14 =	vlt.f32 v7, v6  }
0x1b4: {  	v5 =	vsel vm14, v60, v5  }
0x1b5: {  	v7 =	vand.u32 $0xFFFFFFF8, v5  }
0x1b6: {  	v61 =	vand.u32 $0x7, v5;
	v4 =	vadd.s32 v4, v7  }
0x1b7: {  	v4 =	vor.u32 v61, v4;
	_ =	sdelay $0x4  }
0x1b8: {  	v4 =	vld.idx.msk [tilespmem:v4+s24+$0x0], $0xffff  }
0x1b9: {  	v62 =	vld [tilespmem:s13+$0x0];
	_ =	sdelay $0x3  }
0x1ba: {  	p3 =	sne.s32 s9, $0xF0;
	vm15 =	vlt.f32 v4, v6  }
.Ltmp10:
0x1bb: {  	v63 =	vshll.u32 v62, $0x6;
	v4 =	vsel vm15, $0x1, v2;
	(pc) =	sbr.rel @p3 .LBB2_17-.Ltmp10, $4  }
0x1bc: {  	v4 =	vor.u32 v4, v63  }
0x1bd: {  	v4 =	vadd.s32 v5, v4  }
0x1be: {  	s31 =	sadd.s32 $0x10, s31;
	s13 =	sadd.s32 $0x10, s13;
	[tilespmem:s16+$0x0] =	vst v4  }
0x1bf: {  	s9 =	sadd.s32 $0x10, s9;
	s16 =	sadd.s32 $0x10, s16;
	[tilespmem:s25+$0x0] =	vst v4;
	s25 =	sadd.s32 $0x10, s25  }
0x1c0: {  	s9 =	simm.s32 $0x8CA0  }
0x1c1: {  	[spmem:s2] =	stream.indirect.scatter.add.s32 [tilespmem:s23], [sflag:$0x5], $0x1, s9, s22, $0xb8;
	[tilespmem:$0xC010] =	vst v63  }
0x1c2: {  	s31 =	simm.s32 $0x8720;
	_ =	swait.ge [sflag:s0], $0x2000  }
0x1c3: {  	s16 =	simm.s32 $0x8920;
	s25 =	simm.s32 $0x8D20;
	[sflag:s0] =	ssyncset.done $0x0  }
0x1c4: {  	s13 =	simm.s32 $0x8B20;
	s9 =	simm.s32 $0x100;
	[sflag:s0] =	ssyncadd.s32 $0xFFFFE000  }
.LBB2_19:
0x1c5: {  	v4 =	vmov s9  }
0x1c6: {  	v4 =	vshll.u32 v4, $0x6  }
0x1c7: {  	v4 =	vor.u32 v3, v4  }
0x1c8: {  	v5 =	vor.u32 $0x1F, v4;
	_ =	sdelay $0x3  }
0x1c9: {  	v6 =	vld [tilespmem:s31+$0x0]  }
0x1ca: {  	v5 =	vld.idx.msk [tilespmem:v5+s24+$0x0], $0xffff;
	_ =	sdelay $0x4  }
0x1cb: {  	vm0 =	vlt.f32 v5, v6  }
0x1cc: {  	v5 =	vsel vm0, $0x20, v2  }
0x1cd: {  	v7 =	vor.u32 v5, v4  }
0x1ce: {  	v7 =	vor.u32 $0xF, v7;
	_ =	sdelay $0x4  }
0x1cf: {  	v7 =	vld.idx.msk [tilespmem:v7+s24+$0x0], $0xffff;
	_ =	sdelay $0x4  }
0x1d0: {  	v57 =	vor.u32 $0x10, v5;
	vm11 =	vlt.f32 v7, v6  }
0x1d1: {  	v5 =	vsel vm11, v57, v5  }
0x1d2: {  	v7 =	vor.u32 v5, v4  }
0x1d3: {  	v7 =	vor.u32 $0x7, v7;
	_ =	sdelay $0x4  }
0x1d4: {  	v7 =	vld.idx.msk [tilespmem:v7+s24+$0x0], $0xffff;
	_ =	sdelay $0x4  }
0x1d5: {  	v58 =	vor.u32 $0x8, v5;
	vm12 =	vlt.f32 v7, v6  }
0x1d6: {  	v5 =	vsel vm12, v58, v5  }
0x1d7: {  	v7 =	vor.u32 v5, v4  }
0x1d8: {  	v7 =	vor.u32 $0x3, v7;
	_ =	sdelay $0x4  }
0x1d9: {  	v7 =	vld.idx.msk [tilespmem:v7+s24+$0x0], $0xffff;
	_ =	sdelay $0x4  }
0x1da: {  	v59 =	vor.u32 $0x4, v5;
	vm13 =	vlt.f32 v7, v6  }
0x1db: {  	v5 =	vsel vm13, v59, v5  }
0x1dc: {  	v7 =	vadd.s32 $0x1, v5  }
0x1dd: {  	v8 =	vand.u32 $0xFFFFFFF8, v7  }
0x1de: {  	v7 =	vand.u32 $0x7, v7;
	v8 =	vadd.s32 v4, v8  }
0x1df: {  	v7 =	vor.u32 v7, v8;
	_ =	sdelay $0x4  }
0x1e0: {  	v7 =	vld.idx.msk [tilespmem:v7+s24+$0x0], $0xffff;
	_ =	sdelay $0x4  }
0x1e1: {  	v60 =	vadd.s32 $0x2, v5;
	vm14 =	vlt.f32 v7, v6  }
0x1e2: {  	v5 =	vsel vm14, v60, v5  }
0x1e3: {  	v7 =	vand.u32 $0xFFFFFFF8, v5  }
0x1e4: {  	v61 =	vand.u32 $0x7, v5;
	v4 =	vadd.s32 v4, v7  }
0x1e5: {  	v4 =	vor.u32 v61, v4;
	_ =	sdelay $0x4  }
0x1e6: {  	v4 =	vld.idx.msk [tilespmem:v4+s24+$0x0], $0xffff  }
0x1e7: {  	v62 =	vld [tilespmem:s13+$0x0];
	_ =	sdelay $0x3  }
0x1e8: {  	p3 =	sne.s32 s9, $0x170;
	vm15 =	vlt.f32 v4, v6  }
.Ltmp11:
0x1e9: {  	v63 =	vshll.u32 v62, $0x6;
	v4 =	vsel vm15, $0x1, v2;
	(pc) =	sbr.rel @p3 .LBB2_19-.Ltmp11, $4  }
0x1ea: {  	v4 =	vor.u32 v4, v63  }
0x1eb: {  	v4 =	vadd.s32 v5, v4  }
0x1ec: {  	s31 =	sadd.s32 $0x10, s31;
	s13 =	sadd.s32 $0x10, s13;
	[tilespmem:s16+$0x0] =	vst v4  }
0x1ed: {  	s9 =	sadd.s32 $0x10, s9;
	s16 =	sadd.s32 $0x10, s16;
	[tilespmem:s25+$0x0] =	vst v4;
	s25 =	sadd.s32 $0x10, s25  }
0x1ee: {  	[spmem:s2] =	stream.indirect.scatter.add.s32 [tilespmem:s23], [sflag:$0x5], $0x1, s26, s22, $0xb8;
	[tilespmem:$0xC010] =	vst v63  }
0x1ef: {  	s9 =	simm.s32 $0x180;
	_ =	swait.ge [sflag:s0], $0x2000  }
0x1f0: {  	s31 =	simm.s32 $0x87A0;
	s16 =	simm.s32 $0x89A0;
	[sflag:s0] =	ssyncset.done $0x0  }
0x1f1: {  	s25 =	simm.s32 $0x8DA0;
	s13 =	simm.s32 $0x8BA0;
	[sflag:s0] =	ssyncadd.s32 $0xFFFFE000  }
.LBB2_21:
0x1f2: {  	v4 =	vmov s9  }
0x1f3: {  	v4 =	vshll.u32 v4, $0x6  }
0x1f4: {  	v4 =	vor.u32 v3, v4  }
0x1f5: {  	v5 =	vor.u32 $0x1F, v4;
	_ =	sdelay $0x3  }
0x1f6: {  	v6 =	vld [tilespmem:s31+$0x0]  }
0x1f7: {  	v5 =	vld.idx.msk [tilespmem:v5+s24+$0x0], $0xffff;
	_ =	sdelay $0x4  }
0x1f8: {  	vm0 =	vlt.f32 v5, v6  }
0x1f9: {  	v5 =	vsel vm0, $0x20, v2  }
0x1fa: {  	v7 =	vor.u32 v5, v4  }
0x1fb: {  	v7 =	vor.u32 $0xF, v7;
	_ =	sdelay $0x4  }
0x1fc: {  	v7 =	vld.idx.msk [tilespmem:v7+s24+$0x0], $0xffff;
	_ =	sdelay $0x4  }
0x1fd: {  	v57 =	vor.u32 $0x10, v5;
	vm11 =	vlt.f32 v7, v6  }
0x1fe: {  	v5 =	vsel vm11, v57, v5  }
0x1ff: {  	v7 =	vor.u32 v5, v4  }
0x200: {  	v7 =	vor.u32 $0x7, v7;
	_ =	sdelay $0x4  }
0x201: {  	v7 =	vld.idx.msk [tilespmem:v7+s24+$0x0], $0xffff;
	_ =	sdelay $0x4  }
0x202: {  	v58 =	vor.u32 $0x8, v5;
	vm12 =	vlt.f32 v7, v6  }
0x203: {  	v5 =	vsel vm12, v58, v5  }
0x204: {  	v7 =	vor.u32 v5, v4  }
0x205: {  	v7 =	vor.u32 $0x3, v7;
	_ =	sdelay $0x4  }
0x206: {  	v7 =	vld.idx.msk [tilespmem:v7+s24+$0x0], $0xffff;
	_ =	sdelay $0x4  }
0x207: {  	v59 =	vor.u32 $0x4, v5;
	vm13 =	vlt.f32 v7, v6  }
0x208: {  	v5 =	vsel vm13, v59, v5  }
0x209: {  	v7 =	vadd.s32 $0x1, v5  }
0x20a: {  	v8 =	vand.u32 $0xFFFFFFF8, v7  }
0x20b: {  	v7 =	vand.u32 $0x7, v7;
	v8 =	vadd.s32 v4, v8  }
0x20c: {  	v7 =	vor.u32 v7, v8;
	_ =	sdelay $0x4  }
0x20d: {  	v7 =	vld.idx.msk [tilespmem:v7+s24+$0x0], $0xffff;
	_ =	sdelay $0x4  }
0x20e: {  	v60 =	vadd.s32 $0x2, v5;
	vm14 =	vlt.f32 v7, v6  }
0x20f: {  	v5 =	vsel vm14, v60, v5  }
0x210: {  	v7 =	vand.u32 $0xFFFFFFF8, v5  }
0x211: {  	v61 =	vand.u32 $0x7, v5;
	v4 =	vadd.s32 v4, v7  }
0x212: {  	v4 =	vor.u32 v61, v4;
	_ =	sdelay $0x4  }
0x213: {  	v4 =	vld.idx.msk [tilespmem:v4+s24+$0x0], $0xffff  }
0x214: {  	v62 =	vld [tilespmem:s13+$0x0];
	_ =	sdelay $0x3  }
0x215: {  	p3 =	sne.s32 s9, $0x1F0;
	vm15 =	vlt.f32 v4, v6  }
.Ltmp12:
0x216: {  	v63 =	vshll.u32 v62, $0x6;
	v4 =	vsel vm15, $0x1, v2;
	(pc) =	sbr.rel @p3 .LBB2_21-.Ltmp12, $4  }
0x217: {  	v4 =	vor.u32 v4, v63  }
0x218: {  	v4 =	vadd.s32 v5, v4  }
0x219: {  	s31 =	sadd.s32 $0x10, s31;
	s13 =	sadd.s32 $0x10, s13;
	[tilespmem:s16+$0x0] =	vst v4  }
0x21a: {  	s9 =	sadd.s32 $0x10, s9;
	s16 =	sadd.s32 $0x10, s16;
	[tilespmem:s25+$0x0] =	vst v4;
	s25 =	sadd.s32 $0x10, s25  }
0x21b: {  	[spmem:s2] =	stream.indirect.scatter.add.s32 [tilespmem:s23], [sflag:$0x5], $0x1, s28, s22, $0xb8;
	[tilespmem:$0xC010] =	vst v63  }
0x21c: {  	_ = 	snop  }
0x21d: {  	[hbm4b:s12+s3] =	stream.linear.scatter [tilespmem:s29], [sflag:$0x6], $0x200, $0x38;
	[tilespmem:$0xC010] =	vst v63  }
0x21e: {  	_ =	swait.ge [sflag:s19], $0x200  }
0x21f: {  	[sflag:s19] =	ssyncset.done $0x0  }
0x220: {  	[sflag:s19] =	ssyncadd.s32 $0xFFFFFE00  }
0x221: {  	_ =	swait.ge [sflag:s30], $0x200  }
0x222: {  	[sflag:s30] =	ssyncset.done $0x0  }
0x223: {  	[sflag:s30] =	ssyncadd.s32 $0xFFFFFE00  }
.Ltmp13:
0x224: {  	[bflag:$0x0] =	sbarrier.arrive $0xFFFF;
	(pc) =	sbr.rel @p1 .LBB2_24-.Ltmp13, $4  }
0x225: {  	[tilespmem:s17], [sflag:$0x6] =	stream.linear.gather [spmem:s10], $0x1860, $0x38;
	[tilespmem:$0xC010] =	vst v63  }
0x226: {  	_ =	swait.ge [sflag:s19], $0x1860  }
0x227: {  	[sflag:s19] =	ssyncset.done $0x0  }
0x228: {  	[sflag:s19] =	ssyncadd.s32 $0xFFFFE7A0  }
0x229: {  	[hbm4b:s14+s3] =	stream.linear.scatter [tilespmem:s17], [sflag:$0x6], $0x1860, $0x38;
	[tilespmem:$0xC010] =	vst v63  }
.Ltmp14:
0x22a: {  	_ = 	snop;
	(pc) =	sbr.rel @!p2 .LBB2_26-.Ltmp14, $4  }
.Ltmp15:
0x22b: {  	_ = 	snop;
	(pc) =	sbr.rel @p2 .LBB2_25-.Ltmp15, $4  }
0x22c: {  	_ =	swait.ge [sflag:s19], $0x1860  }
0x22d: {  	[sflag:s19] =	ssyncset.done $0x0  }
0x22e: {  	s9 =	smov.u32 s5;
	[sflag:s19] =	ssyncadd.s32 $0xFFFFE7A0  }
0x22f: {  	_ = 	snop  }
.LBB2_24:
0x230: {  	s9 =	rddreg [dreg:$0x8]  }
0x231: {  	[hbm4b:s9+s3] =	stream.linear.scatter [tilespmem:s17], [sflag:$0x6], $0x1860, $0x38;
	[tilespmem:$0xC010] =	vst v63  }
.Ltmp16:
0x232: {  	_ = 	snop;
	(pc) =	sbr.rel @p0 .LBB2_26-.Ltmp16, $4  }
.Ltmp17:
0x233: {  	_ = 	snop;
	(pc) =	sbr.rel @!p0 .LBB2_25-.Ltmp17, $4  }
0x234: {  	_ =	swait.ge [sflag:s19], $0x1860  }
0x235: {  	[sflag:s19] =	ssyncset.done $0x0  }
0x236: {  	s9 =	smov.u32 s6;
	[sflag:s19] =	ssyncadd.s32 $0xFFFFE7A0  }
0x237: {  	_ = 	snop  }
.LBB2_27:
0x238: {  	_ =	sfence.sel $0x180000  }
0x239: {  	[bflag:$0x0] =	sbarrier.arrive $0xFFFF  }
0x23a: {  	_ =	strace $0x90000047  }
0x23b: {  	[bflag:$0x2] =	sbarrier.arrive $0xFFFF  }
0x23c: {  	s0 =	rddreg [dreg:$0x5]  }
0x23d: {  	s0 =	sadd.s32 @!p0 $0x100000, s0  }
0x23e: {  	[sflag:s0] =	ssyncadd.tile.s32 @!p0 $0x1;
	_ =	shalt  }
.Lfunc_end2:
_tile_overlayer_lowered:
.L_overlay_start_2:
0x23f: {  	(tag) =	ssettag $0x2  }
0x240: {  	s0 =	rddreg [dreg:$0x0];
	s2 =	stileid.u32  }
0x241: {  	s1 =	rddreg [dreg:$0x1];
	p0 =	sne.s32 s2, $0x0  }
0x242: {  	s3 =	rddreg [dreg:$0x2];
	[bflag:$0x3] =	sbarrier.arrive $0xFFFF;
	s2 =	simm.s32 @!p0 $0x1C06  }
0x243: {  	[timem:s3], [sflag:s2] =	dma.local @!p0 [hbm:s0], s1  }
0x244: {  	s0 =	simm.s32 @!p0 $0x6  }
0x245: {  	_ =	swait.ge @!p0 [sflag:s0], s1  }
0x246: {  	s1 =	ssub.s32 @!p0 $0x0, s1;
	[sflag:s0] =	ssyncset.done @!p0 $0x0  }
0x247: {  	[sflag:s0] =	ssyncadd.s32 @!p0 s1  }
0x248: {  	[bflag:$0x3] =	sbarrier.arrive $0xFFFF  }
0x249: {  	_ =	shalt  }

</sc_bundles>
